<compile_context>
chip_gen: v7x
topology: tpu7x:2x2x1
jax: 0.10.2.dev20260603
libtpu: 0.0.44.dev20260713+nightly
codegen_flags: <defaults>
</compile_context>

<pallas_src>
import jax
import jax.numpy as jnp
from jax import lax
from jax.experimental import pallas as pl
from jax.experimental.pallas import tpu as pltpu
from jax.experimental.pallas import tpu_sc as plsc

N = 100000
D = 128
G = 64
NC = 2
NS = 16
NW = NC * NS

N_TC = 56000
N_SC = N - N_TC
ROWS_PER_W = N_SC // NW
CHUNK = 125
NCHUNK = ROWS_PER_W // CHUNK

BLK = 14000
NB = N_TC // BLK


def _sc_segment_sum(feat, batch3, z128, z16, ones_h):
    mesh = plsc.VectorSubcoreMesh(
        core_axis_name="c", subcore_axis_name="s", num_cores=NC,
        num_subcores=NS)

    @pl.kernel(
        out_type=[
            jax.ShapeDtypeStruct((NC, G, D), jnp.float32),
            jax.ShapeDtypeStruct((NC, G, 16), jnp.float32),
        ],
        mesh=mesh,
        compiler_params=pltpu.CompilerParams(use_tc_tiling_on_sc=False),
        scratch_types=[
            pltpu.VMEM((NCHUNK, CHUNK), jnp.int32),
            pltpu.VMEM((CHUNK, D), jnp.float32),
            pltpu.VMEM((CHUNK, D), jnp.float32),
            pltpu.VMEM((CHUNK, 16), jnp.float32),
            pltpu.VMEM((G, D), jnp.float32),
            pltpu.VMEM((G, 16), jnp.float32),
            pltpu.VMEM_SHARED((G, D), jnp.float32),
            pltpu.VMEM_SHARED((G, 16), jnp.float32),
            pltpu.SemaphoreType.DMA,
            pltpu.SemaphoreType.DMA,
            pltpu.SemaphoreType.DMA,
        ],
    )
    def k(feat_h, batch_h, z128_h, z16_h, ones_hbm, sums_out, cnts_out,
          idx_v, buf0, buf1, ones_v, tmp, tmp16, acc, cnt,
          ld_sem0, ld_sem1, cnt_sem):
        c = lax.axis_index("c")
        s = lax.axis_index("s")
        wid = c * NS + s
        row0 = N_TC + wid * ROWS_PER_W
        bufs = [buf0, buf1]
        sems = [ld_sem0, ld_sem1]

        loads = [None] * NCHUNK
        loads[0] = pltpu.async_copy(
            feat_h.at[pl.ds(row0, CHUNK)], buf0, ld_sem0)
        pltpu.sync_copy(batch_h.at[wid], idx_v)
        pltpu.sync_copy(ones_hbm, ones_v)

        @pl.when(s == 0)
        def _():
            pltpu.sync_copy(z128_h, tmp)
            pltpu.sync_copy(tmp, acc)
            pltpu.sync_copy(z16_h, tmp16)
            pltpu.sync_copy(tmp16, cnt)

        plsc.subcore_barrier()

        cnt_scatters = []
        for i in range(NCHUNK):
            if i + 1 < NCHUNK:
                loads[i + 1] = pltpu.async_copy(
                    feat_h.at[pl.ds(row0 + (i + 1) * CHUNK, CHUNK)],
                    bufs[(i + 1) % 2], sems[(i + 1) % 2])
            loads[i].wait()
            cnt_scatters.append(pltpu.async_copy(
                ones_v, cnt.at[idx_v.at[i]], cnt_sem, add=True))
            pltpu.sync_copy(bufs[i % 2], acc.at[idx_v.at[i]], add=True)
        for d in cnt_scatters:
            d.wait()
        plsc.subcore_barrier()

        @pl.when(s == 0)
        def _():
            pltpu.sync_copy(acc, tmp)
            pltpu.sync_copy(tmp, sums_out.at[c])
            pltpu.sync_copy(cnt, tmp16)
            pltpu.sync_copy(tmp16, cnts_out.at[c])

    return k(feat, batch3, z128, z16, ones_h)


def _tc_partial_body(feat_ref, batch_ref, sums_ref, cnts_ref):
    @pl.when(pl.program_id(0) == 0)
    def _():
        sums_ref[...] = jnp.zeros_like(sums_ref)
        cnts_ref[...] = jnp.zeros_like(cnts_ref)

    b = batch_ref[pl.program_id(0)][None, :]
    oh = (lax.broadcasted_iota(jnp.int32, (G, BLK), 0) == b).astype(
        jnp.float32)
    sums_ref[...] += jnp.dot(oh, feat_ref[...],
                             precision=lax.Precision.HIGHEST,
                             preferred_element_type=jnp.float32)
    cnts_ref[...] += jnp.broadcast_to(
        jnp.sum(oh, axis=1, keepdims=True), (G, D))


def _tc_partial(feat_tc, batch_tc):
    return pl.pallas_call(
        _tc_partial_body,
        grid=(NB,),
        in_specs=[
            pl.BlockSpec((BLK, D), lambda i: (i, 0)),
            pl.BlockSpec((NB, BLK), lambda i: (0, 0)),
        ],
        out_specs=[
            pl.BlockSpec((G, D), lambda i: (0, 0)),
            pl.BlockSpec((G, D), lambda i: (0, 0)),
        ],
        out_shape=[
            jax.ShapeDtypeStruct((G, D), jnp.float32),
            jax.ShapeDtypeStruct((G, D), jnp.float32),
        ],
    )(feat_tc, batch_tc)


def _mlp_body(sc_sums_ref, sc_cnts_ref, tc_sums_ref, tc_cnts_ref,
              w1_ref, b1_ref, w2_ref, b2_ref, out_ref):
    sums = sc_sums_ref[0] + sc_sums_ref[1] + tc_sums_ref[...]
    cnt = (sc_cnts_ref[0, :, 0] + sc_cnts_ref[1, :, 0]
           + tc_cnts_ref[:, 0])
    mean = sums / jnp.maximum(cnt, 1.0)[:, None]
    h = jnp.dot(mean, w1_ref[...], precision=lax.Precision.HIGHEST,
                preferred_element_type=jnp.float32) + b1_ref[0]
    alpha = 1.6732632423543772848170429916717
    scale = 1.0507009873554804934193349852946
    h = scale * jnp.where(h > 0, h, alpha * (jnp.exp(h) - 1.0))
    out_ref[...] = jnp.dot(h, w2_ref[...], precision=lax.Precision.HIGHEST,
                           preferred_element_type=jnp.float32) + b2_ref[0]


def kernel(node_invariant_features, batch, W1, b1, W2, b2):
    feat = node_invariant_features.astype(jnp.float32)
    batch = batch.astype(jnp.int32)
    batch3 = batch[N_TC:].reshape(NW, NCHUNK, CHUNK)
    z128 = jnp.zeros((G, D), jnp.float32)
    z16 = jnp.zeros((G, 16), jnp.float32)
    ones_h = jnp.ones((CHUNK, 16), jnp.float32)

    sc_sums, sc_cnts = _sc_segment_sum(feat, batch3, z128, z16, ones_h)
    tc_sums, tc_cnts = _tc_partial(feat, batch[:N_TC].reshape(NB, BLK))

    H = W1.shape[1]
    O = W2.shape[1]
    out = pl.pallas_call(
        _mlp_body,
        out_shape=jax.ShapeDtypeStruct((G, O), jnp.float32),
    )(sc_sums, sc_cnts, tc_sums, tc_cnts,
      W1, b1.reshape(1, H), W2, b2.reshape(1, O))
    return out

# --- scband reference (transcript-rebuilt; emitter-appended) ---
"""Pipeline reference for scband-sen-full-model-30760555774478 (READ-ONLY COPY).

The authoritative reference and input builder live on the scoring server;
editing this copy changes nothing except your own understanding.
"""

import jax, jax.numpy as jnp
import numpy as np

N = 100000
D = 128   # encoder_output_dim
H = 64    # final_mlp_hidden_dim
O = 1     # final_mlp_output_dim
G = 64    # number of graphs in batch

def setup_inputs(seed: int = 0) -> dict:
    key = jax.random.key(seed)
    k1, k2, k3, k4 = jax.random.split(key, 4)
    node_invariant_features = jax.random.normal(k1, (N, D), dtype=jnp.float32)
    batch = jnp.sort(jax.random.randint(k2, (N,), 0, G)).astype(jnp.int64)
    W1 = jax.random.normal(k3, (D, H), dtype=jnp.float32) * (1.0 / np.sqrt(D))
    b1 = jnp.zeros((H,), dtype=jnp.float32)
    W2 = jax.random.normal(k4, (H, O), dtype=jnp.float32) * (1.0 / np.sqrt(H))
    b2 = jnp.zeros((O,), dtype=jnp.float32)
    return {"node_invariant_features": node_invariant_features, "batch": batch,
            "W1": W1, "b1": b1, "W2": W2, "b2": b2}

def reference(node_invariant_features, batch, W1, b1, W2, b2):
    # MaterialAutoencoderTorch.forward: primary_encoder output is discarded ('_ = ...'),
    # so the effective computation is scatter-mean pooling over graphs + final MLP.
    batch = batch.astype(jnp.int32)
    sums = jax.ops.segment_sum(node_invariant_features, batch, num_segments=G)
    ones = jnp.ones((node_invariant_features.shape[0],), dtype=jnp.float32)
    counts = jax.ops.segment_sum(ones, batch, num_segments=G)
    graph_level = sums / jnp.maximum(counts, 1.0)[:, None]
    h = jax.nn.selu(graph_level @ W1 + b1)
    prediction = h @ W2 + b2
    return prediction

if __name__ == "__main__":
    import jax
    _d = setup_inputs()
    print(jax.jit(kernel)(*tuple(_d.values())))

</pallas_src>

<mosaic_0001>
#map = affine_map<(d0, d1) -> (0, 0)>
#map1 = affine_map<(d0, d1) -> (0, 0, 0)>
module attributes {stable_mosaic.version = 14 : i64} {
  func.func @k(%arg0: i32, %arg1: i32, %arg2: memref<100000x128xf32, #tpu.memory_space<hbm>>, %arg3: memref<32x11x125xi32, #tpu.memory_space<hbm>>, %arg4: memref<64x128xf32, #tpu.memory_space<hbm>>, %arg5: memref<64x16xf32, #tpu.memory_space<hbm>>, %arg6: memref<125x16xf32, #tpu.memory_space<hbm>>, %arg7: memref<2x64x128xf32, #tpu.memory_space<hbm>>, %arg8: memref<2x64x16xf32, #tpu.memory_space<hbm>>, %arg9: memref<11x125xi32, #tpu.memory_space<vmem>>, %arg10: memref<125x128xf32, #tpu.memory_space<vmem>>, %arg11: memref<125x128xf32, #tpu.memory_space<vmem>>, %arg12: memref<125x16xf32, #tpu.memory_space<vmem>>, %arg13: memref<64x128xf32, #tpu.memory_space<vmem>>, %arg14: memref<64x16xf32, #tpu.memory_space<vmem>>, %arg15: memref<64x128xf32, #tpu.memory_space<vmem_shared>>, %arg16: memref<64x16xf32, #tpu.memory_space<vmem_shared>>, %arg17: memref<!tpu.dma_semaphore, #tpu.memory_space<semaphore_mem>>, %arg18: memref<!tpu.dma_semaphore, #tpu.memory_space<semaphore_mem>>, %arg19: memref<!tpu.dma_semaphore, #tpu.memory_space<semaphore_mem>>) attributes {dimension_semantics = [#tpu.dimension_semantics<core_parallel>, #tpu.dimension_semantics<subcore_parallel>], iteration_bounds = array<i64: 2, 16>, scalar_prefetch = 0 : i64, scratch_operands = 11 : i64, tpu.core_type = #tpu.core_type<sc_vector_subcore>, window_params = [{transform_indices = #map}, {transform_indices = #map1}, {transform_indices = #map}, {transform_indices = #map}, {transform_indices = #map}, {transform_indices = #map1}, {transform_indices = #map1}]} {
    %mul3A = arith.constant 16 : i32
    %mul3A_0 = arith.muli %arg0, %mul3A : i32
    %add3A = arith.addi %mul3A_0, %arg1 : i32
    %mul3A_1 = arith.constant 1375 : i32
    %mul3A_2 = arith.muli %add3A, %mul3A_1 : i32
    %add3A_3 = arith.constant 56000 : i32
    %add3A_4 = arith.addi %add3A_3, %mul3A_2 : i32
    %dma_start3A = arith.constant 0 : i32
    %dma_start3A_5 = tpu.memref_slice %arg2[%add3A_4, %dma_start3A] : memref<100000x128xf32, #tpu.memory_space<hbm>> -> memref<125x128xf32, #tpu.memory_space<hbm>>
    %dma_start3A_6 = arith.constant 0 : i32
    %dma_start3A_7 = tpu.memref_slice %arg2[%add3A_4, %dma_start3A_6] : memref<100000x128xf32, #tpu.memory_space<hbm>> -> memref<125x128xf32, #tpu.memory_space<hbm>>
    tpu.enqueue_dma source(%dma_start3A_7 : memref<125x128xf32, #tpu.memory_space<hbm>>) target(%arg10 : memref<125x128xf32, #tpu.memory_space<vmem>>) target_semaphore(%arg17 : memref<!tpu.dma_semaphore, #tpu.memory_space<semaphore_mem>>)
    "tpu.region"() ({
      %run_scoped3A_283 = tpu.sem_alloc : memref<!tpu.dma_semaphore, #tpu.memory_space<semaphore_mem>>
      %dma_start3A_284 = arith.constant 0 : i32
      %dma_start3A_285 = arith.constant 0 : i32
      %dma_start3A_286 = tpu.memref_slice %arg3[%add3A, %dma_start3A_284, %dma_start3A_285] : memref<32x11x125xi32, #tpu.memory_space<hbm>> -> memref<1x11x125xi32, #tpu.memory_space<hbm>>
      %dma_start3A_287 = tpu.memref_squeeze %dma_start3A_286 : memref<1x11x125xi32, #tpu.memory_space<hbm>> -> memref<11x125xi32, #tpu.memory_space<hbm>>
      %dma_start3A_288 = arith.constant 0 : i32
      %dma_start3A_289 = arith.constant 0 : i32
      %dma_start3A_290 = tpu.memref_slice %arg3[%add3A, %dma_start3A_288, %dma_start3A_289] : memref<32x11x125xi32, #tpu.memory_space<hbm>> -> memref<1x11x125xi32, #tpu.memory_space<hbm>>
      %dma_start3A_291 = tpu.memref_squeeze %dma_start3A_290 : memref<1x11x125xi32, #tpu.memory_space<hbm>> -> memref<11x125xi32, #tpu.memory_space<hbm>>
      tpu.enqueue_dma source(%dma_start3A_291 : memref<11x125xi32, #tpu.memory_space<hbm>>) target(%arg9 : memref<11x125xi32, #tpu.memory_space<vmem>>) target_semaphore(%run_scoped3A_283 : memref<!tpu.dma_semaphore, #tpu.memory_space<semaphore_mem>>)
      %dma_wait3A_292 = arith.constant 0 : i32
      %dma_wait3A_293 = arith.constant 0 : i32
      %dma_wait3A_294 = tpu.memref_slice %arg3[%add3A, %dma_wait3A_292, %dma_wait3A_293] : memref<32x11x125xi32, #tpu.memory_space<hbm>> -> memref<1x11x125xi32, #tpu.memory_space<hbm>>
      %dma_wait3A_295 = tpu.memref_squeeze %dma_wait3A_294 : memref<1x11x125xi32, #tpu.memory_space<hbm>> -> memref<11x125xi32, #tpu.memory_space<hbm>>
      %dma_wait3A_296 = arith.constant 0 : i32
      %dma_wait3A_297 = arith.constant 0 : i32
      %dma_wait3A_298 = tpu.memref_slice %arg3[%add3A, %dma_wait3A_296, %dma_wait3A_297] : memref<32x11x125xi32, #tpu.memory_space<hbm>> -> memref<1x11x125xi32, #tpu.memory_space<hbm>>
      %dma_wait3A_299 = tpu.memref_squeeze %dma_wait3A_298 : memref<1x11x125xi32, #tpu.memory_space<hbm>> -> memref<11x125xi32, #tpu.memory_space<hbm>>
      tpu.wait_dma2 semaphore(%run_scoped3A_283 : memref<!tpu.dma_semaphore, #tpu.memory_space<semaphore_mem>>) src(%dma_wait3A_299 : memref<11x125xi32, #tpu.memory_space<hbm>>) dst(%arg9 : memref<11x125xi32, #tpu.memory_space<vmem>>)
      tpu.yield
    }) : () -> ()
    "tpu.region"() ({
      %run_scoped3A_283 = tpu.sem_alloc : memref<!tpu.dma_semaphore, #tpu.memory_space<semaphore_mem>>
      tpu.enqueue_dma source(%arg6 : memref<125x16xf32, #tpu.memory_space<hbm>>) target(%arg12 : memref<125x16xf32, #tpu.memory_space<vmem>>) target_semaphore(%run_scoped3A_283 : memref<!tpu.dma_semaphore, #tpu.memory_space<semaphore_mem>>)
      tpu.wait_dma2 semaphore(%run_scoped3A_283 : memref<!tpu.dma_semaphore, #tpu.memory_space<semaphore_mem>>) src(%arg6 : memref<125x16xf32, #tpu.memory_space<hbm>>) dst(%arg12 : memref<125x16xf32, #tpu.memory_space<vmem>>)
      tpu.yield
    }) : () -> ()
    %eq3A = arith.constant 0 : i32
    %eq3A_8 = arith.cmpi eq, %arg1, %eq3A : i32
    %convert_element_type3A = arith.extui %eq3A_8 : i1 to i32
    %cond3A = arith.constant 0 : i32
    %cond3A_9 = arith.cmpi ne, %convert_element_type3A, %cond3A : i32
    scf.if %cond3A_9 {
      "tpu.region"() ({
        %run_scoped3A_283 = tpu.sem_alloc : memref<!tpu.dma_semaphore, #tpu.memory_space<semaphore_mem>>
        tpu.enqueue_dma source(%arg4 : memref<64x128xf32, #tpu.memory_space<hbm>>) target(%arg13 : memref<64x128xf32, #tpu.memory_space<vmem>>) target_semaphore(%run_scoped3A_283 : memref<!tpu.dma_semaphore, #tpu.memory_space<semaphore_mem>>)
        tpu.wait_dma2 semaphore(%run_scoped3A_283 : memref<!tpu.dma_semaphore, #tpu.memory_space<semaphore_mem>>) src(%arg4 : memref<64x128xf32, #tpu.memory_space<hbm>>) dst(%arg13 : memref<64x128xf32, #tpu.memory_space<vmem>>)
        tpu.yield
      }) : () -> ()
      "tpu.region"() ({
        %run_scoped3A_283 = tpu.sem_alloc : memref<!tpu.dma_semaphore, #tpu.memory_space<semaphore_mem>>
        tpu.enqueue_dma source(%arg13 : memref<64x128xf32, #tpu.memory_space<vmem>>) target(%arg15 : memref<64x128xf32, #tpu.memory_space<vmem_shared>>) target_semaphore(%run_scoped3A_283 : memref<!tpu.dma_semaphore, #tpu.memory_space<semaphore_mem>>)
        tpu.wait_dma2 semaphore(%run_scoped3A_283 : memref<!tpu.dma_semaphore, #tpu.memory_space<semaphore_mem>>) src(%arg13 : memref<64x128xf32, #tpu.memory_space<vmem>>) dst(%arg15 : memref<64x128xf32, #tpu.memory_space<vmem_shared>>)
        tpu.yield
      }) : () -> ()
      "tpu.region"() ({
        %run_scoped3A_283 = tpu.sem_alloc : memref<!tpu.dma_semaphore, #tpu.memory_space<semaphore_mem>>
        tpu.enqueue_dma source(%arg5 : memref<64x16xf32, #tpu.memory_space<hbm>>) target(%arg14 : memref<64x16xf32, #tpu.memory_space<vmem>>) target_semaphore(%run_scoped3A_283 : memref<!tpu.dma_semaphore, #tpu.memory_space<semaphore_mem>>)
        tpu.wait_dma2 semaphore(%run_scoped3A_283 : memref<!tpu.dma_semaphore, #tpu.memory_space<semaphore_mem>>) src(%arg5 : memref<64x16xf32, #tpu.memory_space<hbm>>) dst(%arg14 : memref<64x16xf32, #tpu.memory_space<vmem>>)
        tpu.yield
      }) : () -> ()
      "tpu.region"() ({
        %run_scoped3A_283 = tpu.sem_alloc : memref<!tpu.dma_semaphore, #tpu.memory_space<semaphore_mem>>
        tpu.enqueue_dma source(%arg14 : memref<64x16xf32, #tpu.memory_space<vmem>>) target(%arg16 : memref<64x16xf32, #tpu.memory_space<vmem_shared>>) target_semaphore(%run_scoped3A_283 : memref<!tpu.dma_semaphore, #tpu.memory_space<semaphore_mem>>)
        tpu.wait_dma2 semaphore(%run_scoped3A_283 : memref<!tpu.dma_semaphore, #tpu.memory_space<semaphore_mem>>) src(%arg14 : memref<64x16xf32, #tpu.memory_space<vmem>>) dst(%arg16 : memref<64x16xf32, #tpu.memory_space<vmem_shared>>)
        tpu.yield
      }) : () -> ()
    } else {
    }
    %barrier3A = arith.constant 0 : index
    tpu.barrier barrier_id(%barrier3A)
    %add3A_10 = arith.constant 125 : i32
    %add3A_11 = arith.addi %add3A_4, %add3A_10 : i32
    %dma_start3A_12 = arith.constant 0 : i32
    %dma_start3A_13 = tpu.memref_slice %arg2[%add3A_11, %dma_start3A_12] : memref<100000x128xf32, #tpu.memory_space<hbm>> -> memref<125x128xf32, #tpu.memory_space<hbm>>
    %dma_start3A_14 = arith.constant 0 : i32
    %dma_start3A_15 = tpu.memref_slice %arg2[%add3A_11, %dma_start3A_14] : memref<100000x128xf32, #tpu.memory_space<hbm>> -> memref<125x128xf32, #tpu.memory_space<hbm>>
    tpu.enqueue_dma source(%dma_start3A_15 : memref<125x128xf32, #tpu.memory_space<hbm>>) target(%arg11 : memref<125x128xf32, #tpu.memory_space<vmem>>) target_semaphore(%arg18 : memref<!tpu.dma_semaphore, #tpu.memory_space<semaphore_mem>>)
    %dma_wait3A = arith.constant 0 : i32
    %dma_wait3A_16 = tpu.memref_slice %arg2[%add3A_4, %dma_wait3A] : memref<100000x128xf32, #tpu.memory_space<hbm>> -> memref<125x128xf32, #tpu.memory_space<hbm>>
    %dma_wait3A_17 = arith.constant 0 : i32
    %dma_wait3A_18 = tpu.memref_slice %arg2[%add3A_4, %dma_wait3A_17] : memref<100000x128xf32, #tpu.memory_space<hbm>> -> memref<125x128xf32, #tpu.memory_space<hbm>>
    tpu.wait_dma2 semaphore(%arg17 : memref<!tpu.dma_semaphore, #tpu.memory_space<semaphore_mem>>) src(%dma_wait3A_18 : memref<125x128xf32, #tpu.memory_space<hbm>>) dst(%arg10 : memref<125x128xf32, #tpu.memory_space<vmem>>)
    %dma_start3A_19 = arith.constant 0 : i32
    %dma_start3A_20 = arith.constant 0 : i32
    %dma_start3A_21 = tpu.memref_slice %arg9[%dma_start3A_19, %dma_start3A_20] : memref<11x125xi32, #tpu.memory_space<vmem>> -> memref<1x125xi32, #tpu.memory_space<vmem>>
    %dma_start3A_22 = tpu.memref_squeeze %dma_start3A_21 : memref<1x125xi32, #tpu.memory_space<vmem>> -> memref<125xi32, #tpu.memory_space<vmem>>
    %dma_start3A_23 = arith.constant 0 : i32
    %dma_start3A_24 = arith.constant 0 : i32
    %dma_start3A_25 = tpu.memref_slice %arg16[%dma_start3A_23, %dma_start3A_24] : memref<64x16xf32, #tpu.memory_space<vmem_shared>> -> memref<64x16xf32, #tpu.memory_space<vmem_shared>>
    tpu.enqueue_indirect_dma source(%arg12 : memref<125x16xf32, #tpu.memory_space<vmem>>) target(%dma_start3A_25 : memref<64x16xf32, #tpu.memory_space<vmem_shared>>) offsets(%dma_start3A_22 : memref<125xi32, #tpu.memory_space<vmem>>) semaphore(%arg19 : memref<!tpu.dma_semaphore, #tpu.memory_space<semaphore_mem>>) {add = true}
    %run_scoped3A = arith.constant 0 : i32
    "tpu.region"() ({
      %run_scoped3A_283 = tpu.sem_alloc : memref<!tpu.dma_semaphore, #tpu.memory_space<semaphore_mem>>
      %dma_start3A_284 = arith.constant 0 : i32
      %dma_start3A_285 = tpu.memref_slice %arg9[%run_scoped3A, %dma_start3A_284] : memref<11x125xi32, #tpu.memory_space<vmem>> -> memref<1x125xi32, #tpu.memory_space<vmem>>
      %dma_start3A_286 = tpu.memref_squeeze %dma_start3A_285 : memref<1x125xi32, #tpu.memory_space<vmem>> -> memref<125xi32, #tpu.memory_space<vmem>>
      %dma_start3A_287 = arith.constant 0 : i32
      %dma_start3A_288 = arith.constant 0 : i32
      %dma_start3A_289 = tpu.memref_slice %arg15[%dma_start3A_287, %dma_start3A_288] : memref<64x128xf32, #tpu.memory_space<vmem_shared>> -> memref<64x128xf32, #tpu.memory_space<vmem_shared>>
      tpu.enqueue_indirect_dma source(%arg10 : memref<125x128xf32, #tpu.memory_space<vmem>>) target(%dma_start3A_289 : memref<64x128xf32, #tpu.memory_space<vmem_shared>>) offsets(%dma_start3A_286 : memref<125xi32, #tpu.memory_space<vmem>>) semaphore(%run_scoped3A_283 : memref<!tpu.dma_semaphore, #tpu.memory_space<semaphore_mem>>) {add = true}
      %dma_wait3A_290 = arith.constant 0 : i32
      %dma_wait3A_291 = tpu.memref_slice %arg9[%run_scoped3A, %dma_wait3A_290] : memref<11x125xi32, #tpu.memory_space<vmem>> -> memref<1x125xi32, #tpu.memory_space<vmem>>
      %dma_wait3A_292 = tpu.memref_squeeze %dma_wait3A_291 : memref<1x125xi32, #tpu.memory_space<vmem>> -> memref<125xi32, #tpu.memory_space<vmem>>
      %dma_wait3A_293 = arith.constant 0 : i32
      %dma_wait3A_294 = arith.constant 0 : i32
      %dma_wait3A_295 = tpu.memref_slice %arg15[%dma_wait3A_293, %dma_wait3A_294] : memref<64x128xf32, #tpu.memory_space<vmem_shared>> -> memref<64x128xf32, #tpu.memory_space<vmem_shared>>
      tpu.wait_indirect_dma semaphore(%run_scoped3A_283 : memref<!tpu.dma_semaphore, #tpu.memory_space<semaphore_mem>>) src(%arg10 : memref<125x128xf32, #tpu.memory_space<vmem>>) dst(%dma_wait3A_295 : memref<64x128xf32, #tpu.memory_space<vmem_shared>>)
      tpu.yield
    }) : () -> ()
    %add3A_26 = arith.constant 250 : i32
    %add3A_27 = arith.addi %add3A_4, %add3A_26 : i32
    %dma_start3A_28 = arith.constant 0 : i32
    %dma_start3A_29 = tpu.memref_slice %arg2[%add3A_27, %dma_start3A_28] : memref<100000x128xf32, #tpu.memory_space<hbm>> -> memref<125x128xf32, #tpu.memory_space<hbm>>
    %dma_start3A_30 = arith.constant 0 : i32
    %dma_start3A_31 = tpu.memref_slice %arg2[%add3A_27, %dma_start3A_30] : memref<100000x128xf32, #tpu.memory_space<hbm>> -> memref<125x128xf32, #tpu.memory_space<hbm>>
    tpu.enqueue_dma source(%dma_start3A_31 : memref<125x128xf32, #tpu.memory_space<hbm>>) target(%arg10 : memref<125x128xf32, #tpu.memory_space<vmem>>) target_semaphore(%arg17 : memref<!tpu.dma_semaphore, #tpu.memory_space<semaphore_mem>>)
    %dma_wait3A_32 = arith.constant 0 : i32
    %dma_wait3A_33 = tpu.memref_slice %arg2[%add3A_11, %dma_wait3A_32] : memref<100000x128xf32, #tpu.memory_space<hbm>> -> memref<125x128xf32, #tpu.memory_space<hbm>>
    %dma_wait3A_34 = arith.constant 0 : i32
    %dma_wait3A_35 = tpu.memref_slice %arg2[%add3A_11, %dma_wait3A_34] : memref<100000x128xf32, #tpu.memory_space<hbm>> -> memref<125x128xf32, #tpu.memory_space<hbm>>
    tpu.wait_dma2 semaphore(%arg18 : memref<!tpu.dma_semaphore, #tpu.memory_space<semaphore_mem>>) src(%dma_wait3A_35 : memref<125x128xf32, #tpu.memory_space<hbm>>) dst(%arg11 : memref<125x128xf32, #tpu.memory_space<vmem>>)
    %dma_start3A_36 = arith.constant 1 : i32
    %dma_start3A_37 = arith.constant 0 : i32
    %dma_start3A_38 = tpu.memref_slice %arg9[%dma_start3A_36, %dma_start3A_37] : memref<11x125xi32, #tpu.memory_space<vmem>> -> memref<1x125xi32, #tpu.memory_space<vmem>>
    %dma_start3A_39 = tpu.memref_squeeze %dma_start3A_38 : memref<1x125xi32, #tpu.memory_space<vmem>> -> memref<125xi32, #tpu.memory_space<vmem>>
    %dma_start3A_40 = arith.constant 0 : i32
    %dma_start3A_41 = arith.constant 0 : i32
    %dma_start3A_42 = tpu.memref_slice %arg16[%dma_start3A_40, %dma_start3A_41] : memref<64x16xf32, #tpu.memory_space<vmem_shared>> -> memref<64x16xf32, #tpu.memory_space<vmem_shared>>
    tpu.enqueue_indirect_dma source(%arg12 : memref<125x16xf32, #tpu.memory_space<vmem>>) target(%dma_start3A_42 : memref<64x16xf32, #tpu.memory_space<vmem_shared>>) offsets(%dma_start3A_39 : memref<125xi32, #tpu.memory_space<vmem>>) semaphore(%arg19 : memref<!tpu.dma_semaphore, #tpu.memory_space<semaphore_mem>>) {add = true}
    %run_scoped3A_43 = arith.constant 1 : i32
    "tpu.region"() ({
      %run_scoped3A_283 = tpu.sem_alloc : memref<!tpu.dma_semaphore, #tpu.memory_space<semaphore_mem>>
      %dma_start3A_284 = arith.constant 0 : i32
      %dma_start3A_285 = tpu.memref_slice %arg9[%run_scoped3A_43, %dma_start3A_284] : memref<11x125xi32, #tpu.memory_space<vmem>> -> memref<1x125xi32, #tpu.memory_space<vmem>>
      %dma_start3A_286 = tpu.memref_squeeze %dma_start3A_285 : memref<1x125xi32, #tpu.memory_space<vmem>> -> memref<125xi32, #tpu.memory_space<vmem>>
      %dma_start3A_287 = arith.constant 0 : i32
      %dma_start3A_288 = arith.constant 0 : i32
      %dma_start3A_289 = tpu.memref_slice %arg15[%dma_start3A_287, %dma_start3A_288] : memref<64x128xf32, #tpu.memory_space<vmem_shared>> -> memref<64x128xf32, #tpu.memory_space<vmem_shared>>
      tpu.enqueue_indirect_dma source(%arg11 : memref<125x128xf32, #tpu.memory_space<vmem>>) target(%dma_start3A_289 : memref<64x128xf32, #tpu.memory_space<vmem_shared>>) offsets(%dma_start3A_286 : memref<125xi32, #tpu.memory_space<vmem>>) semaphore(%run_scoped3A_283 : memref<!tpu.dma_semaphore, #tpu.memory_space<semaphore_mem>>) {add = true}
      %dma_wait3A_290 = arith.constant 0 : i32
      %dma_wait3A_291 = tpu.memref_slice %arg9[%run_scoped3A_43, %dma_wait3A_290] : memref<11x125xi32, #tpu.memory_space<vmem>> -> memref<1x125xi32, #tpu.memory_space<vmem>>
      %dma_wait3A_292 = tpu.memref_squeeze %dma_wait3A_291 : memref<1x125xi32, #tpu.memory_space<vmem>> -> memref<125xi32, #tpu.memory_space<vmem>>
      %dma_wait3A_293 = arith.constant 0 : i32
      %dma_wait3A_294 = arith.constant 0 : i32
      %dma_wait3A_295 = tpu.memref_slice %arg15[%dma_wait3A_293, %dma_wait3A_294] : memref<64x128xf32, #tpu.memory_space<vmem_shared>> -> memref<64x128xf32, #tpu.memory_space<vmem_shared>>
      tpu.wait_indirect_dma semaphore(%run_scoped3A_283 : memref<!tpu.dma_semaphore, #tpu.memory_space<semaphore_mem>>) src(%arg11 : memref<125x128xf32, #tpu.memory_space<vmem>>) dst(%dma_wait3A_295 : memref<64x128xf32, #tpu.memory_space<vmem_shared>>)
      tpu.yield
    }) : () -> ()
    %add3A_44 = arith.constant 375 : i32
    %add3A_45 = arith.addi %add3A_4, %add3A_44 : i32
    %dma_start3A_46 = arith.constant 0 : i32
    %dma_start3A_47 = tpu.memref_slice %arg2[%add3A_45, %dma_start3A_46] : memref<100000x128xf32, #tpu.memory_space<hbm>> -> memref<125x128xf32, #tpu.memory_space<hbm>>
    %dma_start3A_48 = arith.constant 0 : i32
    %dma_start3A_49 = tpu.memref_slice %arg2[%add3A_45, %dma_start3A_48] : memref<100000x128xf32, #tpu.memory_space<hbm>> -> memref<125x128xf32, #tpu.memory_space<hbm>>
    tpu.enqueue_dma source(%dma_start3A_49 : memref<125x128xf32, #tpu.memory_space<hbm>>) target(%arg11 : memref<125x128xf32, #tpu.memory_space<vmem>>) target_semaphore(%arg18 : memref<!tpu.dma_semaphore, #tpu.memory_space<semaphore_mem>>)
    %dma_wait3A_50 = arith.constant 0 : i32
    %dma_wait3A_51 = tpu.memref_slice %arg2[%add3A_27, %dma_wait3A_50] : memref<100000x128xf32, #tpu.memory_space<hbm>> -> memref<125x128xf32, #tpu.memory_space<hbm>>
    %dma_wait3A_52 = arith.constant 0 : i32
    %dma_wait3A_53 = tpu.memref_slice %arg2[%add3A_27, %dma_wait3A_52] : memref<100000x128xf32, #tpu.memory_space<hbm>> -> memref<125x128xf32, #tpu.memory_space<hbm>>
    tpu.wait_dma2 semaphore(%arg17 : memref<!tpu.dma_semaphore, #tpu.memory_space<semaphore_mem>>) src(%dma_wait3A_53 : memref<125x128xf32, #tpu.memory_space<hbm>>) dst(%arg10 : memref<125x128xf32, #tpu.memory_space<vmem>>)
    %dma_start3A_54 = arith.constant 2 : i32
    %dma_start3A_55 = arith.constant 0 : i32
    %dma_start3A_56 = tpu.memref_slice %arg9[%dma_start3A_54, %dma_start3A_55] : memref<11x125xi32, #tpu.memory_space<vmem>> -> memref<1x125xi32, #tpu.memory_space<vmem>>
    %dma_start3A_57 = tpu.memref_squeeze %dma_start3A_56 : memref<1x125xi32, #tpu.memory_space<vmem>> -> memref<125xi32, #tpu.memory_space<vmem>>
    %dma_start3A_58 = arith.constant 0 : i32
    %dma_start3A_59 = arith.constant 0 : i32
    %dma_start3A_60 = tpu.memref_slice %arg16[%dma_start3A_58, %dma_start3A_59] : memref<64x16xf32, #tpu.memory_space<vmem_shared>> -> memref<64x16xf32, #tpu.memory_space<vmem_shared>>
    tpu.enqueue_indirect_dma source(%arg12 : memref<125x16xf32, #tpu.memory_space<vmem>>) target(%dma_start3A_60 : memref<64x16xf32, #tpu.memory_space<vmem_shared>>) offsets(%dma_start3A_57 : memref<125xi32, #tpu.memory_space<vmem>>) semaphore(%arg19 : memref<!tpu.dma_semaphore, #tpu.memory_space<semaphore_mem>>) {add = true}
    %run_scoped3A_61 = arith.constant 2 : i32
    "tpu.region"() ({
      %run_scoped3A_283 = tpu.sem_alloc : memref<!tpu.dma_semaphore, #tpu.memory_space<semaphore_mem>>
      %dma_start3A_284 = arith.constant 0 : i32
      %dma_start3A_285 = tpu.memref_slice %arg9[%run_scoped3A_61, %dma_start3A_284] : memref<11x125xi32, #tpu.memory_space<vmem>> -> memref<1x125xi32, #tpu.memory_space<vmem>>
      %dma_start3A_286 = tpu.memref_squeeze %dma_start3A_285 : memref<1x125xi32, #tpu.memory_space<vmem>> -> memref<125xi32, #tpu.memory_space<vmem>>
      %dma_start3A_287 = arith.constant 0 : i32
      %dma_start3A_288 = arith.constant 0 : i32
      %dma_start3A_289 = tpu.memref_slice %arg15[%dma_start3A_287, %dma_start3A_288] : memref<64x128xf32, #tpu.memory_space<vmem_shared>> -> memref<64x128xf32, #tpu.memory_space<vmem_shared>>
      tpu.enqueue_indirect_dma source(%arg10 : memref<125x128xf32, #tpu.memory_space<vmem>>) target(%dma_start3A_289 : memref<64x128xf32, #tpu.memory_space<vmem_shared>>) offsets(%dma_start3A_286 : memref<125xi32, #tpu.memory_space<vmem>>) semaphore(%run_scoped3A_283 : memref<!tpu.dma_semaphore, #tpu.memory_space<semaphore_mem>>) {add = true}
      %dma_wait3A_290 = arith.constant 0 : i32
      %dma_wait3A_291 = tpu.memref_slice %arg9[%run_scoped3A_61, %dma_wait3A_290] : memref<11x125xi32, #tpu.memory_space<vmem>> -> memref<1x125xi32, #tpu.memory_space<vmem>>
      %dma_wait3A_292 = tpu.memref_squeeze %dma_wait3A_291 : memref<1x125xi32, #tpu.memory_space<vmem>> -> memref<125xi32, #tpu.memory_space<vmem>>
      %dma_wait3A_293 = arith.constant 0 : i32
      %dma_wait3A_294 = arith.constant 0 : i32
      %dma_wait3A_295 = tpu.memref_slice %arg15[%dma_wait3A_293, %dma_wait3A_294] : memref<64x128xf32, #tpu.memory_space<vmem_shared>> -> memref<64x128xf32, #tpu.memory_space<vmem_shared>>
      tpu.wait_indirect_dma semaphore(%run_scoped3A_283 : memref<!tpu.dma_semaphore, #tpu.memory_space<semaphore_mem>>) src(%arg10 : memref<125x128xf32, #tpu.memory_space<vmem>>) dst(%dma_wait3A_295 : memref<64x128xf32, #tpu.memory_space<vmem_shared>>)
      tpu.yield
    }) : () -> ()
    %add3A_62 = arith.constant 500 : i32
    %add3A_63 = arith.addi %add3A_4, %add3A_62 : i32
    %dma_start3A_64 = arith.constant 0 : i32
    %dma_start3A_65 = tpu.memref_slice %arg2[%add3A_63, %dma_start3A_64] : memref<100000x128xf32, #tpu.memory_space<hbm>> -> memref<125x128xf32, #tpu.memory_space<hbm>>
    %dma_start3A_66 = arith.constant 0 : i32
    %dma_start3A_67 = tpu.memref_slice %arg2[%add3A_63, %dma_start3A_66] : memref<100000x128xf32, #tpu.memory_space<hbm>> -> memref<125x128xf32, #tpu.memory_space<hbm>>
    tpu.enqueue_dma source(%dma_start3A_67 : memref<125x128xf32, #tpu.memory_space<hbm>>) target(%arg10 : memref<125x128xf32, #tpu.memory_space<vmem>>) target_semaphore(%arg17 : memref<!tpu.dma_semaphore, #tpu.memory_space<semaphore_mem>>)
    %dma_wait3A_68 = arith.constant 0 : i32
    %dma_wait3A_69 = tpu.memref_slice %arg2[%add3A_45, %dma_wait3A_68] : memref<100000x128xf32, #tpu.memory_space<hbm>> -> memref<125x128xf32, #tpu.memory_space<hbm>>
    %dma_wait3A_70 = arith.constant 0 : i32
    %dma_wait3A_71 = tpu.memref_slice %arg2[%add3A_45, %dma_wait3A_70] : memref<100000x128xf32, #tpu.memory_space<hbm>> -> memref<125x128xf32, #tpu.memory_space<hbm>>
    tpu.wait_dma2 semaphore(%arg18 : memref<!tpu.dma_semaphore, #tpu.memory_space<semaphore_mem>>) src(%dma_wait3A_71 : memref<125x128xf32, #tpu.memory_space<hbm>>) dst(%arg11 : memref<125x128xf32, #tpu.memory_space<vmem>>)
    %dma_start3A_72 = arith.constant 3 : i32
    %dma_start3A_73 = arith.constant 0 : i32
    %dma_start3A_74 = tpu.memref_slice %arg9[%dma_start3A_72, %dma_start3A_73] : memref<11x125xi32, #tpu.memory_space<vmem>> -> memref<1x125xi32, #tpu.memory_space<vmem>>
    %dma_start3A_75 = tpu.memref_squeeze %dma_start3A_74 : memref<1x125xi32, #tpu.memory_space<vmem>> -> memref<125xi32, #tpu.memory_space<vmem>>
    %dma_start3A_76 = arith.constant 0 : i32
    %dma_start3A_77 = arith.constant 0 : i32
    %dma_start3A_78 = tpu.memref_slice %arg16[%dma_start3A_76, %dma_start3A_77] : memref<64x16xf32, #tpu.memory_space<vmem_shared>> -> memref<64x16xf32, #tpu.memory_space<vmem_shared>>
    tpu.enqueue_indirect_dma source(%arg12 : memref<125x16xf32, #tpu.memory_space<vmem>>) target(%dma_start3A_78 : memref<64x16xf32, #tpu.memory_space<vmem_shared>>) offsets(%dma_start3A_75 : memref<125xi32, #tpu.memory_space<vmem>>) semaphore(%arg19 : memref<!tpu.dma_semaphore, #tpu.memory_space<semaphore_mem>>) {add = true}
    %run_scoped3A_79 = arith.constant 3 : i32
    "tpu.region"() ({
      %run_scoped3A_283 = tpu.sem_alloc : memref<!tpu.dma_semaphore, #tpu.memory_space<semaphore_mem>>
      %dma_start3A_284 = arith.constant 0 : i32
      %dma_start3A_285 = tpu.memref_slice %arg9[%run_scoped3A_79, %dma_start3A_284] : memref<11x125xi32, #tpu.memory_space<vmem>> -> memref<1x125xi32, #tpu.memory_space<vmem>>
      %dma_start3A_286 = tpu.memref_squeeze %dma_start3A_285 : memref<1x125xi32, #tpu.memory_space<vmem>> -> memref<125xi32, #tpu.memory_space<vmem>>
      %dma_start3A_287 = arith.constant 0 : i32
      %dma_start3A_288 = arith.constant 0 : i32
      %dma_start3A_289 = tpu.memref_slice %arg15[%dma_start3A_287, %dma_start3A_288] : memref<64x128xf32, #tpu.memory_space<vmem_shared>> -> memref<64x128xf32, #tpu.memory_space<vmem_shared>>
      tpu.enqueue_indirect_dma source(%arg11 : memref<125x128xf32, #tpu.memory_space<vmem>>) target(%dma_start3A_289 : memref<64x128xf32, #tpu.memory_space<vmem_shared>>) offsets(%dma_start3A_286 : memref<125xi32, #tpu.memory_space<vmem>>) semaphore(%run_scoped3A_283 : memref<!tpu.dma_semaphore, #tpu.memory_space<semaphore_mem>>) {add = true}
      %dma_wait3A_290 = arith.constant 0 : i32
      %dma_wait3A_291 = tpu.memref_slice %arg9[%run_scoped3A_79, %dma_wait3A_290] : memref<11x125xi32, #tpu.memory_space<vmem>> -> memref<1x125xi32, #tpu.memory_space<vmem>>
      %dma_wait3A_292 = tpu.memref_squeeze %dma_wait3A_291 : memref<1x125xi32, #tpu.memory_space<vmem>> -> memref<125xi32, #tpu.memory_space<vmem>>
      %dma_wait3A_293 = arith.constant 0 : i32
      %dma_wait3A_294 = arith.constant 0 : i32
      %dma_wait3A_295 = tpu.memref_slice %arg15[%dma_wait3A_293, %dma_wait3A_294] : memref<64x128xf32, #tpu.memory_space<vmem_shared>> -> memref<64x128xf32, #tpu.memory_space<vmem_shared>>
      tpu.wait_indirect_dma semaphore(%run_scoped3A_283 : memref<!tpu.dma_semaphore, #tpu.memory_space<semaphore_mem>>) src(%arg11 : memref<125x128xf32, #tpu.memory_space<vmem>>) dst(%dma_wait3A_295 : memref<64x128xf32, #tpu.memory_space<vmem_shared>>)
      tpu.yield
    }) : () -> ()
    %add3A_80 = arith.constant 625 : i32
    %add3A_81 = arith.addi %add3A_4, %add3A_80 : i32
    %dma_start3A_82 = arith.constant 0 : i32
    %dma_start3A_83 = tpu.memref_slice %arg2[%add3A_81, %dma_start3A_82] : memref<100000x128xf32, #tpu.memory_space<hbm>> -> memref<125x128xf32, #tpu.memory_space<hbm>>
    %dma_start3A_84 = arith.constant 0 : i32
    %dma_start3A_85 = tpu.memref_slice %arg2[%add3A_81, %dma_start3A_84] : memref<100000x128xf32, #tpu.memory_space<hbm>> -> memref<125x128xf32, #tpu.memory_space<hbm>>
    tpu.enqueue_dma source(%dma_start3A_85 : memref<125x128xf32, #tpu.memory_space<hbm>>) target(%arg11 : memref<125x128xf32, #tpu.memory_space<vmem>>) target_semaphore(%arg18 : memref<!tpu.dma_semaphore, #tpu.memory_space<semaphore_mem>>)
    %dma_wait3A_86 = arith.constant 0 : i32
    %dma_wait3A_87 = tpu.memref_slice %arg2[%add3A_63, %dma_wait3A_86] : memref<100000x128xf32, #tpu.memory_space<hbm>> -> memref<125x128xf32, #tpu.memory_space<hbm>>
    %dma_wait3A_88 = arith.constant 0 : i32
    %dma_wait3A_89 = tpu.memref_slice %arg2[%add3A_63, %dma_wait3A_88] : memref<100000x128xf32, #tpu.memory_space<hbm>> -> memref<125x128xf32, #tpu.memory_space<hbm>>
    tpu.wait_dma2 semaphore(%arg17 : memref<!tpu.dma_semaphore, #tpu.memory_space<semaphore_mem>>) src(%dma_wait3A_89 : memref<125x128xf32, #tpu.memory_space<hbm>>) dst(%arg10 : memref<125x128xf32, #tpu.memory_space<vmem>>)
    %dma_start3A_90 = arith.constant 4 : i32
    %dma_start3A_91 = arith.constant 0 : i32
    %dma_start3A_92 = tpu.memref_slice %arg9[%dma_start3A_90, %dma_start3A_91] : memref<11x125xi32, #tpu.memory_space<vmem>> -> memref<1x125xi32, #tpu.memory_space<vmem>>
    %dma_start3A_93 = tpu.memref_squeeze %dma_start3A_92 : memref<1x125xi32, #tpu.memory_space<vmem>> -> memref<125xi32, #tpu.memory_space<vmem>>
    %dma_start3A_94 = arith.constant 0 : i32
    %dma_start3A_95 = arith.constant 0 : i32
    %dma_start3A_96 = tpu.memref_slice %arg16[%dma_start3A_94, %dma_start3A_95] : memref<64x16xf32, #tpu.memory_space<vmem_shared>> -> memref<64x16xf32, #tpu.memory_space<vmem_shared>>
    tpu.enqueue_indirect_dma source(%arg12 : memref<125x16xf32, #tpu.memory_space<vmem>>) target(%dma_start3A_96 : memref<64x16xf32, #tpu.memory_space<vmem_shared>>) offsets(%dma_start3A_93 : memref<125xi32, #tpu.memory_space<vmem>>) semaphore(%arg19 : memref<!tpu.dma_semaphore, #tpu.memory_space<semaphore_mem>>) {add = true}
    %run_scoped3A_97 = arith.constant 4 : i32
    "tpu.region"() ({
      %run_scoped3A_283 = tpu.sem_alloc : memref<!tpu.dma_semaphore, #tpu.memory_space<semaphore_mem>>
      %dma_start3A_284 = arith.constant 0 : i32
      %dma_start3A_285 = tpu.memref_slice %arg9[%run_scoped3A_97, %dma_start3A_284] : memref<11x125xi32, #tpu.memory_space<vmem>> -> memref<1x125xi32, #tpu.memory_space<vmem>>
      %dma_start3A_286 = tpu.memref_squeeze %dma_start3A_285 : memref<1x125xi32, #tpu.memory_space<vmem>> -> memref<125xi32, #tpu.memory_space<vmem>>
      %dma_start3A_287 = arith.constant 0 : i32
      %dma_start3A_288 = arith.constant 0 : i32
      %dma_start3A_289 = tpu.memref_slice %arg15[%dma_start3A_287, %dma_start3A_288] : memref<64x128xf32, #tpu.memory_space<vmem_shared>> -> memref<64x128xf32, #tpu.memory_space<vmem_shared>>
      tpu.enqueue_indirect_dma source(%arg10 : memref<125x128xf32, #tpu.memory_space<vmem>>) target(%dma_start3A_289 : memref<64x128xf32, #tpu.memory_space<vmem_shared>>) offsets(%dma_start3A_286 : memref<125xi32, #tpu.memory_space<vmem>>) semaphore(%run_scoped3A_283 : memref<!tpu.dma_semaphore, #tpu.memory_space<semaphore_mem>>) {add = true}
      %dma_wait3A_290 = arith.constant 0 : i32
      %dma_wait3A_291 = tpu.memref_slice %arg9[%run_scoped3A_97, %dma_wait3A_290] : memref<11x125xi32, #tpu.memory_space<vmem>> -> memref<1x125xi32, #tpu.memory_space<vmem>>
      %dma_wait3A_292 = tpu.memref_squeeze %dma_wait3A_291 : memref<1x125xi32, #tpu.memory_space<vmem>> -> memref<125xi32, #tpu.memory_space<vmem>>
      %dma_wait3A_293 = arith.constant 0 : i32
      %dma_wait3A_294 = arith.constant 0 : i32
      %dma_wait3A_295 = tpu.memref_slice %arg15[%dma_wait3A_293, %dma_wait3A_294] : memref<64x128xf32, #tpu.memory_space<vmem_shared>> -> memref<64x128xf32, #tpu.memory_space<vmem_shared>>
      tpu.wait_indirect_dma semaphore(%run_scoped3A_283 : memref<!tpu.dma_semaphore, #tpu.memory_space<semaphore_mem>>) src(%arg10 : memref<125x128xf32, #tpu.memory_space<vmem>>) dst(%dma_wait3A_295 : memref<64x128xf32, #tpu.memory_space<vmem_shared>>)
      tpu.yield
    }) : () -> ()
    %add3A_98 = arith.constant 750 : i32
    %add3A_99 = arith.addi %add3A_4, %add3A_98 : i32
    %dma_start3A_100 = arith.constant 0 : i32
    %dma_start3A_101 = tpu.memref_slice %arg2[%add3A_99, %dma_start3A_100] : memref<100000x128xf32, #tpu.memory_space<hbm>> -> memref<125x128xf32, #tpu.memory_space<hbm>>
    %dma_start3A_102 = arith.constant 0 : i32
    %dma_start3A_103 = tpu.memref_slice %arg2[%add3A_99, %dma_start3A_102] : memref<100000x128xf32, #tpu.memory_space<hbm>> -> memref<125x128xf32, #tpu.memory_space<hbm>>
    tpu.enqueue_dma source(%dma_start3A_103 : memref<125x128xf32, #tpu.memory_space<hbm>>) target(%arg10 : memref<125x128xf32, #tpu.memory_space<vmem>>) target_semaphore(%arg17 : memref<!tpu.dma_semaphore, #tpu.memory_space<semaphore_mem>>)
    %dma_wait3A_104 = arith.constant 0 : i32
    %dma_wait3A_105 = tpu.memref_slice %arg2[%add3A_81, %dma_wait3A_104] : memref<100000x128xf32, #tpu.memory_space<hbm>> -> memref<125x128xf32, #tpu.memory_space<hbm>>
    %dma_wait3A_106 = arith.constant 0 : i32
    %dma_wait3A_107 = tpu.memref_slice %arg2[%add3A_81, %dma_wait3A_106] : memref<100000x128xf32, #tpu.memory_space<hbm>> -> memref<125x128xf32, #tpu.memory_space<hbm>>
    tpu.wait_dma2 semaphore(%arg18 : memref<!tpu.dma_semaphore, #tpu.memory_space<semaphore_mem>>) src(%dma_wait3A_107 : memref<125x128xf32, #tpu.memory_space<hbm>>) dst(%arg11 : memref<125x128xf32, #tpu.memory_space<vmem>>)
    %dma_start3A_108 = arith.constant 5 : i32
    %dma_start3A_109 = arith.constant 0 : i32
    %dma_start3A_110 = tpu.memref_slice %arg9[%dma_start3A_108, %dma_start3A_109] : memref<11x125xi32, #tpu.memory_space<vmem>> -> memref<1x125xi32, #tpu.memory_space<vmem>>
    %dma_start3A_111 = tpu.memref_squeeze %dma_start3A_110 : memref<1x125xi32, #tpu.memory_space<vmem>> -> memref<125xi32, #tpu.memory_space<vmem>>
    %dma_start3A_112 = arith.constant 0 : i32
    %dma_start3A_113 = arith.constant 0 : i32
    %dma_start3A_114 = tpu.memref_slice %arg16[%dma_start3A_112, %dma_start3A_113] : memref<64x16xf32, #tpu.memory_space<vmem_shared>> -> memref<64x16xf32, #tpu.memory_space<vmem_shared>>
    tpu.enqueue_indirect_dma source(%arg12 : memref<125x16xf32, #tpu.memory_space<vmem>>) target(%dma_start3A_114 : memref<64x16xf32, #tpu.memory_space<vmem_shared>>) offsets(%dma_start3A_111 : memref<125xi32, #tpu.memory_space<vmem>>) semaphore(%arg19 : memref<!tpu.dma_semaphore, #tpu.memory_space<semaphore_mem>>) {add = true}
    %run_scoped3A_115 = arith.constant 5 : i32
    "tpu.region"() ({
      %run_scoped3A_283 = tpu.sem_alloc : memref<!tpu.dma_semaphore, #tpu.memory_space<semaphore_mem>>
      %dma_start3A_284 = arith.constant 0 : i32
      %dma_start3A_285 = tpu.memref_slice %arg9[%run_scoped3A_115, %dma_start3A_284] : memref<11x125xi32, #tpu.memory_space<vmem>> -> memref<1x125xi32, #tpu.memory_space<vmem>>
      %dma_start3A_286 = tpu.memref_squeeze %dma_start3A_285 : memref<1x125xi32, #tpu.memory_space<vmem>> -> memref<125xi32, #tpu.memory_space<vmem>>
      %dma_start3A_287 = arith.constant 0 : i32
      %dma_start3A_288 = arith.constant 0 : i32
      %dma_start3A_289 = tpu.memref_slice %arg15[%dma_start3A_287, %dma_start3A_288] : memref<64x128xf32, #tpu.memory_space<vmem_shared>> -> memref<64x128xf32, #tpu.memory_space<vmem_shared>>
      tpu.enqueue_indirect_dma source(%arg11 : memref<125x128xf32, #tpu.memory_space<vmem>>) target(%dma_start3A_289 : memref<64x128xf32, #tpu.memory_space<vmem_shared>>) offsets(%dma_start3A_286 : memref<125xi32, #tpu.memory_space<vmem>>) semaphore(%run_scoped3A_283 : memref<!tpu.dma_semaphore, #tpu.memory_space<semaphore_mem>>) {add = true}
      %dma_wait3A_290 = arith.constant 0 : i32
      %dma_wait3A_291 = tpu.memref_slice %arg9[%run_scoped3A_115, %dma_wait3A_290] : memref<11x125xi32, #tpu.memory_space<vmem>> -> memref<1x125xi32, #tpu.memory_space<vmem>>
      %dma_wait3A_292 = tpu.memref_squeeze %dma_wait3A_291 : memref<1x125xi32, #tpu.memory_space<vmem>> -> memref<125xi32, #tpu.memory_space<vmem>>
      %dma_wait3A_293 = arith.constant 0 : i32
      %dma_wait3A_294 = arith.constant 0 : i32
      %dma_wait3A_295 = tpu.memref_slice %arg15[%dma_wait3A_293, %dma_wait3A_294] : memref<64x128xf32, #tpu.memory_space<vmem_shared>> -> memref<64x128xf32, #tpu.memory_space<vmem_shared>>
      tpu.wait_indirect_dma semaphore(%run_scoped3A_283 : memref<!tpu.dma_semaphore, #tpu.memory_space<semaphore_mem>>) src(%arg11 : memref<125x128xf32, #tpu.memory_space<vmem>>) dst(%dma_wait3A_295 : memref<64x128xf32, #tpu.memory_space<vmem_shared>>)
      tpu.yield
    }) : () -> ()
    %add3A_116 = arith.constant 875 : i32
    %add3A_117 = arith.addi %add3A_4, %add3A_116 : i32
    %dma_start3A_118 = arith.constant 0 : i32
    %dma_start3A_119 = tpu.memref_slice %arg2[%add3A_117, %dma_start3A_118] : memref<100000x128xf32, #tpu.memory_space<hbm>> -> memref<125x128xf32, #tpu.memory_space<hbm>>
    %dma_start3A_120 = arith.constant 0 : i32
    %dma_start3A_121 = tpu.memref_slice %arg2[%add3A_117, %dma_start3A_120] : memref<100000x128xf32, #tpu.memory_space<hbm>> -> memref<125x128xf32, #tpu.memory_space<hbm>>
    tpu.enqueue_dma source(%dma_start3A_121 : memref<125x128xf32, #tpu.memory_space<hbm>>) target(%arg11 : memref<125x128xf32, #tpu.memory_space<vmem>>) target_semaphore(%arg18 : memref<!tpu.dma_semaphore, #tpu.memory_space<semaphore_mem>>)
    %dma_wait3A_122 = arith.constant 0 : i32
    %dma_wait3A_123 = tpu.memref_slice %arg2[%add3A_99, %dma_wait3A_122] : memref<100000x128xf32, #tpu.memory_space<hbm>> -> memref<125x128xf32, #tpu.memory_space<hbm>>
    %dma_wait3A_124 = arith.constant 0 : i32
    %dma_wait3A_125 = tpu.memref_slice %arg2[%add3A_99, %dma_wait3A_124] : memref<100000x128xf32, #tpu.memory_space<hbm>> -> memref<125x128xf32, #tpu.memory_space<hbm>>
    tpu.wait_dma2 semaphore(%arg17 : memref<!tpu.dma_semaphore, #tpu.memory_space<semaphore_mem>>) src(%dma_wait3A_125 : memref<125x128xf32, #tpu.memory_space<hbm>>) dst(%arg10 : memref<125x128xf32, #tpu.memory_space<vmem>>)
    %dma_start3A_126 = arith.constant 6 : i32
    %dma_start3A_127 = arith.constant 0 : i32
    %dma_start3A_128 = tpu.memref_slice %arg9[%dma_start3A_126, %dma_start3A_127] : memref<11x125xi32, #tpu.memory_space<vmem>> -> memref<1x125xi32, #tpu.memory_space<vmem>>
    %dma_start3A_129 = tpu.memref_squeeze %dma_start3A_128 : memref<1x125xi32, #tpu.memory_space<vmem>> -> memref<125xi32, #tpu.memory_space<vmem>>
    %dma_start3A_130 = arith.constant 0 : i32
    %dma_start3A_131 = arith.constant 0 : i32
    %dma_start3A_132 = tpu.memref_slice %arg16[%dma_start3A_130, %dma_start3A_131] : memref<64x16xf32, #tpu.memory_space<vmem_shared>> -> memref<64x16xf32, #tpu.memory_space<vmem_shared>>
    tpu.enqueue_indirect_dma source(%arg12 : memref<125x16xf32, #tpu.memory_space<vmem>>) target(%dma_start3A_132 : memref<64x16xf32, #tpu.memory_space<vmem_shared>>) offsets(%dma_start3A_129 : memref<125xi32, #tpu.memory_space<vmem>>) semaphore(%arg19 : memref<!tpu.dma_semaphore, #tpu.memory_space<semaphore_mem>>) {add = true}
    %run_scoped3A_133 = arith.constant 6 : i32
    "tpu.region"() ({
      %run_scoped3A_283 = tpu.sem_alloc : memref<!tpu.dma_semaphore, #tpu.memory_space<semaphore_mem>>
      %dma_start3A_284 = arith.constant 0 : i32
      %dma_start3A_285 = tpu.memref_slice %arg9[%run_scoped3A_133, %dma_start3A_284] : memref<11x125xi32, #tpu.memory_space<vmem>> -> memref<1x125xi32, #tpu.memory_space<vmem>>
      %dma_start3A_286 = tpu.memref_squeeze %dma_start3A_285 : memref<1x125xi32, #tpu.memory_space<vmem>> -> memref<125xi32, #tpu.memory_space<vmem>>
      %dma_start3A_287 = arith.constant 0 : i32
      %dma_start3A_288 = arith.constant 0 : i32
      %dma_start3A_289 = tpu.memref_slice %arg15[%dma_start3A_287, %dma_start3A_288] : memref<64x128xf32, #tpu.memory_space<vmem_shared>> -> memref<64x128xf32, #tpu.memory_space<vmem_shared>>
      tpu.enqueue_indirect_dma source(%arg10 : memref<125x128xf32, #tpu.memory_space<vmem>>) target(%dma_start3A_289 : memref<64x128xf32, #tpu.memory_space<vmem_shared>>) offsets(%dma_start3A_286 : memref<125xi32, #tpu.memory_space<vmem>>) semaphore(%run_scoped3A_283 : memref<!tpu.dma_semaphore, #tpu.memory_space<semaphore_mem>>) {add = true}
      %dma_wait3A_290 = arith.constant 0 : i32
      %dma_wait3A_291 = tpu.memref_slice %arg9[%run_scoped3A_133, %dma_wait3A_290] : memref<11x125xi32, #tpu.memory_space<vmem>> -> memref<1x125xi32, #tpu.memory_space<vmem>>
      %dma_wait3A_292 = tpu.memref_squeeze %dma_wait3A_291 : memref<1x125xi32, #tpu.memory_space<vmem>> -> memref<125xi32, #tpu.memory_space<vmem>>
      %dma_wait3A_293 = arith.constant 0 : i32
      %dma_wait3A_294 = arith.constant 0 : i32
      %dma_wait3A_295 = tpu.memref_slice %arg15[%dma_wait3A_293, %dma_wait3A_294] : memref<64x128xf32, #tpu.memory_space<vmem_shared>> -> memref<64x128xf32, #tpu.memory_space<vmem_shared>>
      tpu.wait_indirect_dma semaphore(%run_scoped3A_283 : memref<!tpu.dma_semaphore, #tpu.memory_space<semaphore_mem>>) src(%arg10 : memref<125x128xf32, #tpu.memory_space<vmem>>) dst(%dma_wait3A_295 : memref<64x128xf32, #tpu.memory_space<vmem_shared>>)
      tpu.yield
    }) : () -> ()
    %add3A_134 = arith.constant 1000 : i32
    %add3A_135 = arith.addi %add3A_4, %add3A_134 : i32
    %dma_start3A_136 = arith.constant 0 : i32
    %dma_start3A_137 = tpu.memref_slice %arg2[%add3A_135, %dma_start3A_136] : memref<100000x128xf32, #tpu.memory_space<hbm>> -> memref<125x128xf32, #tpu.memory_space<hbm>>
    %dma_start3A_138 = arith.constant 0 : i32
    %dma_start3A_139 = tpu.memref_slice %arg2[%add3A_135, %dma_start3A_138] : memref<100000x128xf32, #tpu.memory_space<hbm>> -> memref<125x128xf32, #tpu.memory_space<hbm>>
    tpu.enqueue_dma source(%dma_start3A_139 : memref<125x128xf32, #tpu.memory_space<hbm>>) target(%arg10 : memref<125x128xf32, #tpu.memory_space<vmem>>) target_semaphore(%arg17 : memref<!tpu.dma_semaphore, #tpu.memory_space<semaphore_mem>>)
    %dma_wait3A_140 = arith.constant 0 : i32
    %dma_wait3A_141 = tpu.memref_slice %arg2[%add3A_117, %dma_wait3A_140] : memref<100000x128xf32, #tpu.memory_space<hbm>> -> memref<125x128xf32, #tpu.memory_space<hbm>>
    %dma_wait3A_142 = arith.constant 0 : i32
    %dma_wait3A_143 = tpu.memref_slice %arg2[%add3A_117, %dma_wait3A_142] : memref<100000x128xf32, #tpu.memory_space<hbm>> -> memref<125x128xf32, #tpu.memory_space<hbm>>
    tpu.wait_dma2 semaphore(%arg18 : memref<!tpu.dma_semaphore, #tpu.memory_space<semaphore_mem>>) src(%dma_wait3A_143 : memref<125x128xf32, #tpu.memory_space<hbm>>) dst(%arg11 : memref<125x128xf32, #tpu.memory_space<vmem>>)
    %dma_start3A_144 = arith.constant 7 : i32
    %dma_start3A_145 = arith.constant 0 : i32
    %dma_start3A_146 = tpu.memref_slice %arg9[%dma_start3A_144, %dma_start3A_145] : memref<11x125xi32, #tpu.memory_space<vmem>> -> memref<1x125xi32, #tpu.memory_space<vmem>>
    %dma_start3A_147 = tpu.memref_squeeze %dma_start3A_146 : memref<1x125xi32, #tpu.memory_space<vmem>> -> memref<125xi32, #tpu.memory_space<vmem>>
    %dma_start3A_148 = arith.constant 0 : i32
    %dma_start3A_149 = arith.constant 0 : i32
    %dma_start3A_150 = tpu.memref_slice %arg16[%dma_start3A_148, %dma_start3A_149] : memref<64x16xf32, #tpu.memory_space<vmem_shared>> -> memref<64x16xf32, #tpu.memory_space<vmem_shared>>
    tpu.enqueue_indirect_dma source(%arg12 : memref<125x16xf32, #tpu.memory_space<vmem>>) target(%dma_start3A_150 : memref<64x16xf32, #tpu.memory_space<vmem_shared>>) offsets(%dma_start3A_147 : memref<125xi32, #tpu.memory_space<vmem>>) semaphore(%arg19 : memref<!tpu.dma_semaphore, #tpu.memory_space<semaphore_mem>>) {add = true}
    %run_scoped3A_151 = arith.constant 7 : i32
    "tpu.region"() ({
      %run_scoped3A_283 = tpu.sem_alloc : memref<!tpu.dma_semaphore, #tpu.memory_space<semaphore_mem>>
      %dma_start3A_284 = arith.constant 0 : i32
      %dma_start3A_285 = tpu.memref_slice %arg9[%run_scoped3A_151, %dma_start3A_284] : memref<11x125xi32, #tpu.memory_space<vmem>> -> memref<1x125xi32, #tpu.memory_space<vmem>>
      %dma_start3A_286 = tpu.memref_squeeze %dma_start3A_285 : memref<1x125xi32, #tpu.memory_space<vmem>> -> memref<125xi32, #tpu.memory_space<vmem>>
      %dma_start3A_287 = arith.constant 0 : i32
      %dma_start3A_288 = arith.constant 0 : i32
      %dma_start3A_289 = tpu.memref_slice %arg15[%dma_start3A_287, %dma_start3A_288] : memref<64x128xf32, #tpu.memory_space<vmem_shared>> -> memref<64x128xf32, #tpu.memory_space<vmem_shared>>
      tpu.enqueue_indirect_dma source(%arg11 : memref<125x128xf32, #tpu.memory_space<vmem>>) target(%dma_start3A_289 : memref<64x128xf32, #tpu.memory_space<vmem_shared>>) offsets(%dma_start3A_286 : memref<125xi32, #tpu.memory_space<vmem>>) semaphore(%run_scoped3A_283 : memref<!tpu.dma_semaphore, #tpu.memory_space<semaphore_mem>>) {add = true}
      %dma_wait3A_290 = arith.constant 0 : i32
      %dma_wait3A_291 = tpu.memref_slice %arg9[%run_scoped3A_151, %dma_wait3A_290] : memref<11x125xi32, #tpu.memory_space<vmem>> -> memref<1x125xi32, #tpu.memory_space<vmem>>
      %dma_wait3A_292 = tpu.memref_squeeze %dma_wait3A_291 : memref<1x125xi32, #tpu.memory_space<vmem>> -> memref<125xi32, #tpu.memory_space<vmem>>
      %dma_wait3A_293 = arith.constant 0 : i32
      %dma_wait3A_294 = arith.constant 0 : i32
      %dma_wait3A_295 = tpu.memref_slice %arg15[%dma_wait3A_293, %dma_wait3A_294] : memref<64x128xf32, #tpu.memory_space<vmem_shared>> -> memref<64x128xf32, #tpu.memory_space<vmem_shared>>
      tpu.wait_indirect_dma semaphore(%run_scoped3A_283 : memref<!tpu.dma_semaphore, #tpu.memory_space<semaphore_mem>>) src(%arg11 : memref<125x128xf32, #tpu.memory_space<vmem>>) dst(%dma_wait3A_295 : memref<64x128xf32, #tpu.memory_space<vmem_shared>>)
      tpu.yield
    }) : () -> ()
    %add3A_152 = arith.constant 1125 : i32
    %add3A_153 = arith.addi %add3A_4, %add3A_152 : i32
    %dma_start3A_154 = arith.constant 0 : i32
    %dma_start3A_155 = tpu.memref_slice %arg2[%add3A_153, %dma_start3A_154] : memref<100000x128xf32, #tpu.memory_space<hbm>> -> memref<125x128xf32, #tpu.memory_space<hbm>>
    %dma_start3A_156 = arith.constant 0 : i32
    %dma_start3A_157 = tpu.memref_slice %arg2[%add3A_153, %dma_start3A_156] : memref<100000x128xf32, #tpu.memory_space<hbm>> -> memref<125x128xf32, #tpu.memory_space<hbm>>
    tpu.enqueue_dma source(%dma_start3A_157 : memref<125x128xf32, #tpu.memory_space<hbm>>) target(%arg11 : memref<125x128xf32, #tpu.memory_space<vmem>>) target_semaphore(%arg18 : memref<!tpu.dma_semaphore, #tpu.memory_space<semaphore_mem>>)
    %dma_wait3A_158 = arith.constant 0 : i32
    %dma_wait3A_159 = tpu.memref_slice %arg2[%add3A_135, %dma_wait3A_158] : memref<100000x128xf32, #tpu.memory_space<hbm>> -> memref<125x128xf32, #tpu.memory_space<hbm>>
    %dma_wait3A_160 = arith.constant 0 : i32
    %dma_wait3A_161 = tpu.memref_slice %arg2[%add3A_135, %dma_wait3A_160] : memref<100000x128xf32, #tpu.memory_space<hbm>> -> memref<125x128xf32, #tpu.memory_space<hbm>>
    tpu.wait_dma2 semaphore(%arg17 : memref<!tpu.dma_semaphore, #tpu.memory_space<semaphore_mem>>) src(%dma_wait3A_161 : memref<125x128xf32, #tpu.memory_space<hbm>>) dst(%arg10 : memref<125x128xf32, #tpu.memory_space<vmem>>)
    %dma_start3A_162 = arith.constant 8 : i32
    %dma_start3A_163 = arith.constant 0 : i32
    %dma_start3A_164 = tpu.memref_slice %arg9[%dma_start3A_162, %dma_start3A_163] : memref<11x125xi32, #tpu.memory_space<vmem>> -> memref<1x125xi32, #tpu.memory_space<vmem>>
    %dma_start3A_165 = tpu.memref_squeeze %dma_start3A_164 : memref<1x125xi32, #tpu.memory_space<vmem>> -> memref<125xi32, #tpu.memory_space<vmem>>
    %dma_start3A_166 = arith.constant 0 : i32
    %dma_start3A_167 = arith.constant 0 : i32
    %dma_start3A_168 = tpu.memref_slice %arg16[%dma_start3A_166, %dma_start3A_167] : memref<64x16xf32, #tpu.memory_space<vmem_shared>> -> memref<64x16xf32, #tpu.memory_space<vmem_shared>>
    tpu.enqueue_indirect_dma source(%arg12 : memref<125x16xf32, #tpu.memory_space<vmem>>) target(%dma_start3A_168 : memref<64x16xf32, #tpu.memory_space<vmem_shared>>) offsets(%dma_start3A_165 : memref<125xi32, #tpu.memory_space<vmem>>) semaphore(%arg19 : memref<!tpu.dma_semaphore, #tpu.memory_space<semaphore_mem>>) {add = true}
    %run_scoped3A_169 = arith.constant 8 : i32
    "tpu.region"() ({
      %run_scoped3A_283 = tpu.sem_alloc : memref<!tpu.dma_semaphore, #tpu.memory_space<semaphore_mem>>
      %dma_start3A_284 = arith.constant 0 : i32
      %dma_start3A_285 = tpu.memref_slice %arg9[%run_scoped3A_169, %dma_start3A_284] : memref<11x125xi32, #tpu.memory_space<vmem>> -> memref<1x125xi32, #tpu.memory_space<vmem>>
      %dma_start3A_286 = tpu.memref_squeeze %dma_start3A_285 : memref<1x125xi32, #tpu.memory_space<vmem>> -> memref<125xi32, #tpu.memory_space<vmem>>
      %dma_start3A_287 = arith.constant 0 : i32
      %dma_start3A_288 = arith.constant 0 : i32
      %dma_start3A_289 = tpu.memref_slice %arg15[%dma_start3A_287, %dma_start3A_288] : memref<64x128xf32, #tpu.memory_space<vmem_shared>> -> memref<64x128xf32, #tpu.memory_space<vmem_shared>>
      tpu.enqueue_indirect_dma source(%arg10 : memref<125x128xf32, #tpu.memory_space<vmem>>) target(%dma_start3A_289 : memref<64x128xf32, #tpu.memory_space<vmem_shared>>) offsets(%dma_start3A_286 : memref<125xi32, #tpu.memory_space<vmem>>) semaphore(%run_scoped3A_283 : memref<!tpu.dma_semaphore, #tpu.memory_space<semaphore_mem>>) {add = true}
      %dma_wait3A_290 = arith.constant 0 : i32
      %dma_wait3A_291 = tpu.memref_slice %arg9[%run_scoped3A_169, %dma_wait3A_290] : memref<11x125xi32, #tpu.memory_space<vmem>> -> memref<1x125xi32, #tpu.memory_space<vmem>>
      %dma_wait3A_292 = tpu.memref_squeeze %dma_wait3A_291 : memref<1x125xi32, #tpu.memory_space<vmem>> -> memref<125xi32, #tpu.memory_space<vmem>>
      %dma_wait3A_293 = arith.constant 0 : i32
      %dma_wait3A_294 = arith.constant 0 : i32
      %dma_wait3A_295 = tpu.memref_slice %arg15[%dma_wait3A_293, %dma_wait3A_294] : memref<64x128xf32, #tpu.memory_space<vmem_shared>> -> memref<64x128xf32, #tpu.memory_space<vmem_shared>>
      tpu.wait_indirect_dma semaphore(%run_scoped3A_283 : memref<!tpu.dma_semaphore, #tpu.memory_space<semaphore_mem>>) src(%arg10 : memref<125x128xf32, #tpu.memory_space<vmem>>) dst(%dma_wait3A_295 : memref<64x128xf32, #tpu.memory_space<vmem_shared>>)
      tpu.yield
    }) : () -> ()
    %add3A_170 = arith.constant 1250 : i32
    %add3A_171 = arith.addi %add3A_4, %add3A_170 : i32
    %dma_start3A_172 = arith.constant 0 : i32
    %dma_start3A_173 = tpu.memref_slice %arg2[%add3A_171, %dma_start3A_172] : memref<100000x128xf32, #tpu.memory_space<hbm>> -> memref<125x128xf32, #tpu.memory_space<hbm>>
    %dma_start3A_174 = arith.constant 0 : i32
    %dma_start3A_175 = tpu.memref_slice %arg2[%add3A_171, %dma_start3A_174] : memref<100000x128xf32, #tpu.memory_space<hbm>> -> memref<125x128xf32, #tpu.memory_space<hbm>>
    tpu.enqueue_dma source(%dma_start3A_175 : memref<125x128xf32, #tpu.memory_space<hbm>>) target(%arg10 : memref<125x128xf32, #tpu.memory_space<vmem>>) target_semaphore(%arg17 : memref<!tpu.dma_semaphore, #tpu.memory_space<semaphore_mem>>)
    %dma_wait3A_176 = arith.constant 0 : i32
    %dma_wait3A_177 = tpu.memref_slice %arg2[%add3A_153, %dma_wait3A_176] : memref<100000x128xf32, #tpu.memory_space<hbm>> -> memref<125x128xf32, #tpu.memory_space<hbm>>
    %dma_wait3A_178 = arith.constant 0 : i32
    %dma_wait3A_179 = tpu.memref_slice %arg2[%add3A_153, %dma_wait3A_178] : memref<100000x128xf32, #tpu.memory_space<hbm>> -> memref<125x128xf32, #tpu.memory_space<hbm>>
    tpu.wait_dma2 semaphore(%arg18 : memref<!tpu.dma_semaphore, #tpu.memory_space<semaphore_mem>>) src(%dma_wait3A_179 : memref<125x128xf32, #tpu.memory_space<hbm>>) dst(%arg11 : memref<125x128xf32, #tpu.memory_space<vmem>>)
    %dma_start3A_180 = arith.constant 9 : i32
    %dma_start3A_181 = arith.constant 0 : i32
    %dma_start3A_182 = tpu.memref_slice %arg9[%dma_start3A_180, %dma_start3A_181] : memref<11x125xi32, #tpu.memory_space<vmem>> -> memref<1x125xi32, #tpu.memory_space<vmem>>
    %dma_start3A_183 = tpu.memref_squeeze %dma_start3A_182 : memref<1x125xi32, #tpu.memory_space<vmem>> -> memref<125xi32, #tpu.memory_space<vmem>>
    %dma_start3A_184 = arith.constant 0 : i32
    %dma_start3A_185 = arith.constant 0 : i32
    %dma_start3A_186 = tpu.memref_slice %arg16[%dma_start3A_184, %dma_start3A_185] : memref<64x16xf32, #tpu.memory_space<vmem_shared>> -> memref<64x16xf32, #tpu.memory_space<vmem_shared>>
    tpu.enqueue_indirect_dma source(%arg12 : memref<125x16xf32, #tpu.memory_space<vmem>>) target(%dma_start3A_186 : memref<64x16xf32, #tpu.memory_space<vmem_shared>>) offsets(%dma_start3A_183 : memref<125xi32, #tpu.memory_space<vmem>>) semaphore(%arg19 : memref<!tpu.dma_semaphore, #tpu.memory_space<semaphore_mem>>) {add = true}
    %run_scoped3A_187 = arith.constant 9 : i32
    "tpu.region"() ({
      %run_scoped3A_283 = tpu.sem_alloc : memref<!tpu.dma_semaphore, #tpu.memory_space<semaphore_mem>>
      %dma_start3A_284 = arith.constant 0 : i32
      %dma_start3A_285 = tpu.memref_slice %arg9[%run_scoped3A_187, %dma_start3A_284] : memref<11x125xi32, #tpu.memory_space<vmem>> -> memref<1x125xi32, #tpu.memory_space<vmem>>
      %dma_start3A_286 = tpu.memref_squeeze %dma_start3A_285 : memref<1x125xi32, #tpu.memory_space<vmem>> -> memref<125xi32, #tpu.memory_space<vmem>>
      %dma_start3A_287 = arith.constant 0 : i32
      %dma_start3A_288 = arith.constant 0 : i32
      %dma_start3A_289 = tpu.memref_slice %arg15[%dma_start3A_287, %dma_start3A_288] : memref<64x128xf32, #tpu.memory_space<vmem_shared>> -> memref<64x128xf32, #tpu.memory_space<vmem_shared>>
      tpu.enqueue_indirect_dma source(%arg11 : memref<125x128xf32, #tpu.memory_space<vmem>>) target(%dma_start3A_289 : memref<64x128xf32, #tpu.memory_space<vmem_shared>>) offsets(%dma_start3A_286 : memref<125xi32, #tpu.memory_space<vmem>>) semaphore(%run_scoped3A_283 : memref<!tpu.dma_semaphore, #tpu.memory_space<semaphore_mem>>) {add = true}
      %dma_wait3A_290 = arith.constant 0 : i32
      %dma_wait3A_291 = tpu.memref_slice %arg9[%run_scoped3A_187, %dma_wait3A_290] : memref<11x125xi32, #tpu.memory_space<vmem>> -> memref<1x125xi32, #tpu.memory_space<vmem>>
      %dma_wait3A_292 = tpu.memref_squeeze %dma_wait3A_291 : memref<1x125xi32, #tpu.memory_space<vmem>> -> memref<125xi32, #tpu.memory_space<vmem>>
      %dma_wait3A_293 = arith.constant 0 : i32
      %dma_wait3A_294 = arith.constant 0 : i32
      %dma_wait3A_295 = tpu.memref_slice %arg15[%dma_wait3A_293, %dma_wait3A_294] : memref<64x128xf32, #tpu.memory_space<vmem_shared>> -> memref<64x128xf32, #tpu.memory_space<vmem_shared>>
      tpu.wait_indirect_dma semaphore(%run_scoped3A_283 : memref<!tpu.dma_semaphore, #tpu.memory_space<semaphore_mem>>) src(%arg11 : memref<125x128xf32, #tpu.memory_space<vmem>>) dst(%dma_wait3A_295 : memref<64x128xf32, #tpu.memory_space<vmem_shared>>)
      tpu.yield
    }) : () -> ()
    %dma_wait3A_188 = arith.constant 0 : i32
    %dma_wait3A_189 = tpu.memref_slice %arg2[%add3A_171, %dma_wait3A_188] : memref<100000x128xf32, #tpu.memory_space<hbm>> -> memref<125x128xf32, #tpu.memory_space<hbm>>
    %dma_wait3A_190 = arith.constant 0 : i32
    %dma_wait3A_191 = tpu.memref_slice %arg2[%add3A_171, %dma_wait3A_190] : memref<100000x128xf32, #tpu.memory_space<hbm>> -> memref<125x128xf32, #tpu.memory_space<hbm>>
    tpu.wait_dma2 semaphore(%arg17 : memref<!tpu.dma_semaphore, #tpu.memory_space<semaphore_mem>>) src(%dma_wait3A_191 : memref<125x128xf32, #tpu.memory_space<hbm>>) dst(%arg10 : memref<125x128xf32, #tpu.memory_space<vmem>>)
    %dma_start3A_192 = arith.constant 10 : i32
    %dma_start3A_193 = arith.constant 0 : i32
    %dma_start3A_194 = tpu.memref_slice %arg9[%dma_start3A_192, %dma_start3A_193] : memref<11x125xi32, #tpu.memory_space<vmem>> -> memref<1x125xi32, #tpu.memory_space<vmem>>
    %dma_start3A_195 = tpu.memref_squeeze %dma_start3A_194 : memref<1x125xi32, #tpu.memory_space<vmem>> -> memref<125xi32, #tpu.memory_space<vmem>>
    %dma_start3A_196 = arith.constant 0 : i32
    %dma_start3A_197 = arith.constant 0 : i32
    %dma_start3A_198 = tpu.memref_slice %arg16[%dma_start3A_196, %dma_start3A_197] : memref<64x16xf32, #tpu.memory_space<vmem_shared>> -> memref<64x16xf32, #tpu.memory_space<vmem_shared>>
    tpu.enqueue_indirect_dma source(%arg12 : memref<125x16xf32, #tpu.memory_space<vmem>>) target(%dma_start3A_198 : memref<64x16xf32, #tpu.memory_space<vmem_shared>>) offsets(%dma_start3A_195 : memref<125xi32, #tpu.memory_space<vmem>>) semaphore(%arg19 : memref<!tpu.dma_semaphore, #tpu.memory_space<semaphore_mem>>) {add = true}
    %run_scoped3A_199 = arith.constant 10 : i32
    "tpu.region"() ({
      %run_scoped3A_283 = tpu.sem_alloc : memref<!tpu.dma_semaphore, #tpu.memory_space<semaphore_mem>>
      %dma_start3A_284 = arith.constant 0 : i32
      %dma_start3A_285 = tpu.memref_slice %arg9[%run_scoped3A_199, %dma_start3A_284] : memref<11x125xi32, #tpu.memory_space<vmem>> -> memref<1x125xi32, #tpu.memory_space<vmem>>
      %dma_start3A_286 = tpu.memref_squeeze %dma_start3A_285 : memref<1x125xi32, #tpu.memory_space<vmem>> -> memref<125xi32, #tpu.memory_space<vmem>>
      %dma_start3A_287 = arith.constant 0 : i32
      %dma_start3A_288 = arith.constant 0 : i32
      %dma_start3A_289 = tpu.memref_slice %arg15[%dma_start3A_287, %dma_start3A_288] : memref<64x128xf32, #tpu.memory_space<vmem_shared>> -> memref<64x128xf32, #tpu.memory_space<vmem_shared>>
      tpu.enqueue_indirect_dma source(%arg10 : memref<125x128xf32, #tpu.memory_space<vmem>>) target(%dma_start3A_289 : memref<64x128xf32, #tpu.memory_space<vmem_shared>>) offsets(%dma_start3A_286 : memref<125xi32, #tpu.memory_space<vmem>>) semaphore(%run_scoped3A_283 : memref<!tpu.dma_semaphore, #tpu.memory_space<semaphore_mem>>) {add = true}
      %dma_wait3A_290 = arith.constant 0 : i32
      %dma_wait3A_291 = tpu.memref_slice %arg9[%run_scoped3A_199, %dma_wait3A_290] : memref<11x125xi32, #tpu.memory_space<vmem>> -> memref<1x125xi32, #tpu.memory_space<vmem>>
      %dma_wait3A_292 = tpu.memref_squeeze %dma_wait3A_291 : memref<1x125xi32, #tpu.memory_space<vmem>> -> memref<125xi32, #tpu.memory_space<vmem>>
      %dma_wait3A_293 = arith.constant 0 : i32
      %dma_wait3A_294 = arith.constant 0 : i32
      %dma_wait3A_295 = tpu.memref_slice %arg15[%dma_wait3A_293, %dma_wait3A_294] : memref<64x128xf32, #tpu.memory_space<vmem_shared>> -> memref<64x128xf32, #tpu.memory_space<vmem_shared>>
      tpu.wait_indirect_dma semaphore(%run_scoped3A_283 : memref<!tpu.dma_semaphore, #tpu.memory_space<semaphore_mem>>) src(%arg10 : memref<125x128xf32, #tpu.memory_space<vmem>>) dst(%dma_wait3A_295 : memref<64x128xf32, #tpu.memory_space<vmem_shared>>)
      tpu.yield
    }) : () -> ()
    %dma_wait3A_200 = arith.constant 0 : i32
    %dma_wait3A_201 = arith.constant 0 : i32
    %dma_wait3A_202 = tpu.memref_slice %arg9[%dma_wait3A_200, %dma_wait3A_201] : memref<11x125xi32, #tpu.memory_space<vmem>> -> memref<1x125xi32, #tpu.memory_space<vmem>>
    %dma_wait3A_203 = tpu.memref_squeeze %dma_wait3A_202 : memref<1x125xi32, #tpu.memory_space<vmem>> -> memref<125xi32, #tpu.memory_space<vmem>>
    %dma_wait3A_204 = arith.constant 0 : i32
    %dma_wait3A_205 = arith.constant 0 : i32
    %dma_wait3A_206 = tpu.memref_slice %arg16[%dma_wait3A_204, %dma_wait3A_205] : memref<64x16xf32, #tpu.memory_space<vmem_shared>> -> memref<64x16xf32, #tpu.memory_space<vmem_shared>>
    tpu.wait_indirect_dma semaphore(%arg19 : memref<!tpu.dma_semaphore, #tpu.memory_space<semaphore_mem>>) src(%arg12 : memref<125x16xf32, #tpu.memory_space<vmem>>) dst(%dma_wait3A_206 : memref<64x16xf32, #tpu.memory_space<vmem_shared>>)
    %dma_wait3A_207 = arith.constant 1 : i32
    %dma_wait3A_208 = arith.constant 0 : i32
    %dma_wait3A_209 = tpu.memref_slice %arg9[%dma_wait3A_207, %dma_wait3A_208] : memref<11x125xi32, #tpu.memory_space<vmem>> -> memref<1x125xi32, #tpu.memory_space<vmem>>
    %dma_wait3A_210 = tpu.memref_squeeze %dma_wait3A_209 : memref<1x125xi32, #tpu.memory_space<vmem>> -> memref<125xi32, #tpu.memory_space<vmem>>
    %dma_wait3A_211 = arith.constant 0 : i32
    %dma_wait3A_212 = arith.constant 0 : i32
    %dma_wait3A_213 = tpu.memref_slice %arg16[%dma_wait3A_211, %dma_wait3A_212] : memref<64x16xf32, #tpu.memory_space<vmem_shared>> -> memref<64x16xf32, #tpu.memory_space<vmem_shared>>
    tpu.wait_indirect_dma semaphore(%arg19 : memref<!tpu.dma_semaphore, #tpu.memory_space<semaphore_mem>>) src(%arg12 : memref<125x16xf32, #tpu.memory_space<vmem>>) dst(%dma_wait3A_213 : memref<64x16xf32, #tpu.memory_space<vmem_shared>>)
    %dma_wait3A_214 = arith.constant 2 : i32
    %dma_wait3A_215 = arith.constant 0 : i32
    %dma_wait3A_216 = tpu.memref_slice %arg9[%dma_wait3A_214, %dma_wait3A_215] : memref<11x125xi32, #tpu.memory_space<vmem>> -> memref<1x125xi32, #tpu.memory_space<vmem>>
    %dma_wait3A_217 = tpu.memref_squeeze %dma_wait3A_216 : memref<1x125xi32, #tpu.memory_space<vmem>> -> memref<125xi32, #tpu.memory_space<vmem>>
    %dma_wait3A_218 = arith.constant 0 : i32
    %dma_wait3A_219 = arith.constant 0 : i32
    %dma_wait3A_220 = tpu.memref_slice %arg16[%dma_wait3A_218, %dma_wait3A_219] : memref<64x16xf32, #tpu.memory_space<vmem_shared>> -> memref<64x16xf32, #tpu.memory_space<vmem_shared>>
    tpu.wait_indirect_dma semaphore(%arg19 : memref<!tpu.dma_semaphore, #tpu.memory_space<semaphore_mem>>) src(%arg12 : memref<125x16xf32, #tpu.memory_space<vmem>>) dst(%dma_wait3A_220 : memref<64x16xf32, #tpu.memory_space<vmem_shared>>)
    %dma_wait3A_221 = arith.constant 3 : i32
    %dma_wait3A_222 = arith.constant 0 : i32
    %dma_wait3A_223 = tpu.memref_slice %arg9[%dma_wait3A_221, %dma_wait3A_222] : memref<11x125xi32, #tpu.memory_space<vmem>> -> memref<1x125xi32, #tpu.memory_space<vmem>>
    %dma_wait3A_224 = tpu.memref_squeeze %dma_wait3A_223 : memref<1x125xi32, #tpu.memory_space<vmem>> -> memref<125xi32, #tpu.memory_space<vmem>>
    %dma_wait3A_225 = arith.constant 0 : i32
    %dma_wait3A_226 = arith.constant 0 : i32
    %dma_wait3A_227 = tpu.memref_slice %arg16[%dma_wait3A_225, %dma_wait3A_226] : memref<64x16xf32, #tpu.memory_space<vmem_shared>> -> memref<64x16xf32, #tpu.memory_space<vmem_shared>>
    tpu.wait_indirect_dma semaphore(%arg19 : memref<!tpu.dma_semaphore, #tpu.memory_space<semaphore_mem>>) src(%arg12 : memref<125x16xf32, #tpu.memory_space<vmem>>) dst(%dma_wait3A_227 : memref<64x16xf32, #tpu.memory_space<vmem_shared>>)
    %dma_wait3A_228 = arith.constant 4 : i32
    %dma_wait3A_229 = arith.constant 0 : i32
    %dma_wait3A_230 = tpu.memref_slice %arg9[%dma_wait3A_228, %dma_wait3A_229] : memref<11x125xi32, #tpu.memory_space<vmem>> -> memref<1x125xi32, #tpu.memory_space<vmem>>
    %dma_wait3A_231 = tpu.memref_squeeze %dma_wait3A_230 : memref<1x125xi32, #tpu.memory_space<vmem>> -> memref<125xi32, #tpu.memory_space<vmem>>
    %dma_wait3A_232 = arith.constant 0 : i32
    %dma_wait3A_233 = arith.constant 0 : i32
    %dma_wait3A_234 = tpu.memref_slice %arg16[%dma_wait3A_232, %dma_wait3A_233] : memref<64x16xf32, #tpu.memory_space<vmem_shared>> -> memref<64x16xf32, #tpu.memory_space<vmem_shared>>
    tpu.wait_indirect_dma semaphore(%arg19 : memref<!tpu.dma_semaphore, #tpu.memory_space<semaphore_mem>>) src(%arg12 : memref<125x16xf32, #tpu.memory_space<vmem>>) dst(%dma_wait3A_234 : memref<64x16xf32, #tpu.memory_space<vmem_shared>>)
    %dma_wait3A_235 = arith.constant 5 : i32
    %dma_wait3A_236 = arith.constant 0 : i32
    %dma_wait3A_237 = tpu.memref_slice %arg9[%dma_wait3A_235, %dma_wait3A_236] : memref<11x125xi32, #tpu.memory_space<vmem>> -> memref<1x125xi32, #tpu.memory_space<vmem>>
    %dma_wait3A_238 = tpu.memref_squeeze %dma_wait3A_237 : memref<1x125xi32, #tpu.memory_space<vmem>> -> memref<125xi32, #tpu.memory_space<vmem>>
    %dma_wait3A_239 = arith.constant 0 : i32
    %dma_wait3A_240 = arith.constant 0 : i32
    %dma_wait3A_241 = tpu.memref_slice %arg16[%dma_wait3A_239, %dma_wait3A_240] : memref<64x16xf32, #tpu.memory_space<vmem_shared>> -> memref<64x16xf32, #tpu.memory_space<vmem_shared>>
    tpu.wait_indirect_dma semaphore(%arg19 : memref<!tpu.dma_semaphore, #tpu.memory_space<semaphore_mem>>) src(%arg12 : memref<125x16xf32, #tpu.memory_space<vmem>>) dst(%dma_wait3A_241 : memref<64x16xf32, #tpu.memory_space<vmem_shared>>)
    %dma_wait3A_242 = arith.constant 6 : i32
    %dma_wait3A_243 = arith.constant 0 : i32
    %dma_wait3A_244 = tpu.memref_slice %arg9[%dma_wait3A_242, %dma_wait3A_243] : memref<11x125xi32, #tpu.memory_space<vmem>> -> memref<1x125xi32, #tpu.memory_space<vmem>>
    %dma_wait3A_245 = tpu.memref_squeeze %dma_wait3A_244 : memref<1x125xi32, #tpu.memory_space<vmem>> -> memref<125xi32, #tpu.memory_space<vmem>>
    %dma_wait3A_246 = arith.constant 0 : i32
    %dma_wait3A_247 = arith.constant 0 : i32
    %dma_wait3A_248 = tpu.memref_slice %arg16[%dma_wait3A_246, %dma_wait3A_247] : memref<64x16xf32, #tpu.memory_space<vmem_shared>> -> memref<64x16xf32, #tpu.memory_space<vmem_shared>>
    tpu.wait_indirect_dma semaphore(%arg19 : memref<!tpu.dma_semaphore, #tpu.memory_space<semaphore_mem>>) src(%arg12 : memref<125x16xf32, #tpu.memory_space<vmem>>) dst(%dma_wait3A_248 : memref<64x16xf32, #tpu.memory_space<vmem_shared>>)
    %dma_wait3A_249 = arith.constant 7 : i32
    %dma_wait3A_250 = arith.constant 0 : i32
    %dma_wait3A_251 = tpu.memref_slice %arg9[%dma_wait3A_249, %dma_wait3A_250] : memref<11x125xi32, #tpu.memory_space<vmem>> -> memref<1x125xi32, #tpu.memory_space<vmem>>
    %dma_wait3A_252 = tpu.memref_squeeze %dma_wait3A_251 : memref<1x125xi32, #tpu.memory_space<vmem>> -> memref<125xi32, #tpu.memory_space<vmem>>
    %dma_wait3A_253 = arith.constant 0 : i32
    %dma_wait3A_254 = arith.constant 0 : i32
    %dma_wait3A_255 = tpu.memref_slice %arg16[%dma_wait3A_253, %dma_wait3A_254] : memref<64x16xf32, #tpu.memory_space<vmem_shared>> -> memref<64x16xf32, #tpu.memory_space<vmem_shared>>
    tpu.wait_indirect_dma semaphore(%arg19 : memref<!tpu.dma_semaphore, #tpu.memory_space<semaphore_mem>>) src(%arg12 : memref<125x16xf32, #tpu.memory_space<vmem>>) dst(%dma_wait3A_255 : memref<64x16xf32, #tpu.memory_space<vmem_shared>>)
    %dma_wait3A_256 = arith.constant 8 : i32
    %dma_wait3A_257 = arith.constant 0 : i32
    %dma_wait3A_258 = tpu.memref_slice %arg9[%dma_wait3A_256, %dma_wait3A_257] : memref<11x125xi32, #tpu.memory_space<vmem>> -> memref<1x125xi32, #tpu.memory_space<vmem>>
    %dma_wait3A_259 = tpu.memref_squeeze %dma_wait3A_258 : memref<1x125xi32, #tpu.memory_space<vmem>> -> memref<125xi32, #tpu.memory_space<vmem>>
    %dma_wait3A_260 = arith.constant 0 : i32
    %dma_wait3A_261 = arith.constant 0 : i32
    %dma_wait3A_262 = tpu.memref_slice %arg16[%dma_wait3A_260, %dma_wait3A_261] : memref<64x16xf32, #tpu.memory_space<vmem_shared>> -> memref<64x16xf32, #tpu.memory_space<vmem_shared>>
    tpu.wait_indirect_dma semaphore(%arg19 : memref<!tpu.dma_semaphore, #tpu.memory_space<semaphore_mem>>) src(%arg12 : memref<125x16xf32, #tpu.memory_space<vmem>>) dst(%dma_wait3A_262 : memref<64x16xf32, #tpu.memory_space<vmem_shared>>)
    %dma_wait3A_263 = arith.constant 9 : i32
    %dma_wait3A_264 = arith.constant 0 : i32
    %dma_wait3A_265 = tpu.memref_slice %arg9[%dma_wait3A_263, %dma_wait3A_264] : memref<11x125xi32, #tpu.memory_space<vmem>> -> memref<1x125xi32, #tpu.memory_space<vmem>>
    %dma_wait3A_266 = tpu.memref_squeeze %dma_wait3A_265 : memref<1x125xi32, #tpu.memory_space<vmem>> -> memref<125xi32, #tpu.memory_space<vmem>>
    %dma_wait3A_267 = arith.constant 0 : i32
    %dma_wait3A_268 = arith.constant 0 : i32
    %dma_wait3A_269 = tpu.memref_slice %arg16[%dma_wait3A_267, %dma_wait3A_268] : memref<64x16xf32, #tpu.memory_space<vmem_shared>> -> memref<64x16xf32, #tpu.memory_space<vmem_shared>>
    tpu.wait_indirect_dma semaphore(%arg19 : memref<!tpu.dma_semaphore, #tpu.memory_space<semaphore_mem>>) src(%arg12 : memref<125x16xf32, #tpu.memory_space<vmem>>) dst(%dma_wait3A_269 : memref<64x16xf32, #tpu.memory_space<vmem_shared>>)
    %dma_wait3A_270 = arith.constant 10 : i32
    %dma_wait3A_271 = arith.constant 0 : i32
    %dma_wait3A_272 = tpu.memref_slice %arg9[%dma_wait3A_270, %dma_wait3A_271] : memref<11x125xi32, #tpu.memory_space<vmem>> -> memref<1x125xi32, #tpu.memory_space<vmem>>
    %dma_wait3A_273 = tpu.memref_squeeze %dma_wait3A_272 : memref<1x125xi32, #tpu.memory_space<vmem>> -> memref<125xi32, #tpu.memory_space<vmem>>
    %dma_wait3A_274 = arith.constant 0 : i32
    %dma_wait3A_275 = arith.constant 0 : i32
    %dma_wait3A_276 = tpu.memref_slice %arg16[%dma_wait3A_274, %dma_wait3A_275] : memref<64x16xf32, #tpu.memory_space<vmem_shared>> -> memref<64x16xf32, #tpu.memory_space<vmem_shared>>
    tpu.wait_indirect_dma semaphore(%arg19 : memref<!tpu.dma_semaphore, #tpu.memory_space<semaphore_mem>>) src(%arg12 : memref<125x16xf32, #tpu.memory_space<vmem>>) dst(%dma_wait3A_276 : memref<64x16xf32, #tpu.memory_space<vmem_shared>>)
    %barrier3A_277 = arith.constant 0 : index
    tpu.barrier barrier_id(%barrier3A_277)
    %eq3A_278 = arith.constant 0 : i32
    %eq3A_279 = arith.cmpi eq, %arg1, %eq3A_278 : i32
    %convert_element_type3A_280 = arith.extui %eq3A_279 : i1 to i32
    %cond3A_281 = arith.constant 0 : i32
    %cond3A_282 = arith.cmpi ne, %convert_element_type3A_280, %cond3A_281 : i32
    scf.if %cond3A_282 {
      "tpu.region"() ({
        %run_scoped3A_283 = tpu.sem_alloc : memref<!tpu.dma_semaphore, #tpu.memory_space<semaphore_mem>>
        tpu.enqueue_dma source(%arg15 : memref<64x128xf32, #tpu.memory_space<vmem_shared>>) target(%arg13 : memref<64x128xf32, #tpu.memory_space<vmem>>) target_semaphore(%run_scoped3A_283 : memref<!tpu.dma_semaphore, #tpu.memory_space<semaphore_mem>>)
        tpu.wait_dma2 semaphore(%run_scoped3A_283 : memref<!tpu.dma_semaphore, #tpu.memory_space<semaphore_mem>>) src(%arg15 : memref<64x128xf32, #tpu.memory_space<vmem_shared>>) dst(%arg13 : memref<64x128xf32, #tpu.memory_space<vmem>>)
        tpu.yield
      }) : () -> ()
      "tpu.region"() ({
        %run_scoped3A_283 = tpu.sem_alloc : memref<!tpu.dma_semaphore, #tpu.memory_space<semaphore_mem>>
        %dma_start3A_284 = arith.constant 0 : i32
        %dma_start3A_285 = arith.constant 0 : i32
        %dma_start3A_286 = tpu.memref_slice %arg7[%arg0, %dma_start3A_284, %dma_start3A_285] : memref<2x64x128xf32, #tpu.memory_space<hbm>> -> memref<1x64x128xf32, #tpu.memory_space<hbm>>
        %dma_start3A_287 = tpu.memref_squeeze %dma_start3A_286 : memref<1x64x128xf32, #tpu.memory_space<hbm>> -> memref<64x128xf32, #tpu.memory_space<hbm>>
        %dma_start3A_288 = arith.constant 0 : i32
        %dma_start3A_289 = arith.constant 0 : i32
        %dma_start3A_290 = tpu.memref_slice %arg7[%arg0, %dma_start3A_288, %dma_start3A_289] : memref<2x64x128xf32, #tpu.memory_space<hbm>> -> memref<1x64x128xf32, #tpu.memory_space<hbm>>
        %dma_start3A_291 = tpu.memref_squeeze %dma_start3A_290 : memref<1x64x128xf32, #tpu.memory_space<hbm>> -> memref<64x128xf32, #tpu.memory_space<hbm>>
        tpu.enqueue_dma source(%arg13 : memref<64x128xf32, #tpu.memory_space<vmem>>) target(%dma_start3A_291 : memref<64x128xf32, #tpu.memory_space<hbm>>) target_semaphore(%run_scoped3A_283 : memref<!tpu.dma_semaphore, #tpu.memory_space<semaphore_mem>>)
        %dma_wait3A_292 = arith.constant 0 : i32
        %dma_wait3A_293 = arith.constant 0 : i32
        %dma_wait3A_294 = tpu.memref_slice %arg7[%arg0, %dma_wait3A_292, %dma_wait3A_293] : memref<2x64x128xf32, #tpu.memory_space<hbm>> -> memref<1x64x128xf32, #tpu.memory_space<hbm>>
        %dma_wait3A_295 = tpu.memref_squeeze %dma_wait3A_294 : memref<1x64x128xf32, #tpu.memory_space<hbm>> -> memref<64x128xf32, #tpu.memory_space<hbm>>
        %dma_wait3A_296 = arith.constant 0 : i32
        %dma_wait3A_297 = arith.constant 0 : i32
        %dma_wait3A_298 = tpu.memref_slice %arg7[%arg0, %dma_wait3A_296, %dma_wait3A_297] : memref<2x64x128xf32, #tpu.memory_space<hbm>> -> memref<1x64x128xf32, #tpu.memory_space<hbm>>
        %dma_wait3A_299 = tpu.memref_squeeze %dma_wait3A_298 : memref<1x64x128xf32, #tpu.memory_space<hbm>> -> memref<64x128xf32, #tpu.memory_space<hbm>>
        tpu.wait_dma2 semaphore(%run_scoped3A_283 : memref<!tpu.dma_semaphore, #tpu.memory_space<semaphore_mem>>) src(%arg13 : memref<64x128xf32, #tpu.memory_space<vmem>>) dst(%dma_wait3A_299 : memref<64x128xf32, #tpu.memory_space<hbm>>)
        tpu.yield
      }) : () -> ()
      "tpu.region"() ({
        %run_scoped3A_283 = tpu.sem_alloc : memref<!tpu.dma_semaphore, #tpu.memory_space<semaphore_mem>>
        tpu.enqueue_dma source(%arg16 : memref<64x16xf32, #tpu.memory_space<vmem_shared>>) target(%arg14 : memref<64x16xf32, #tpu.memory_space<vmem>>) target_semaphore(%run_scoped3A_283 : memref<!tpu.dma_semaphore, #tpu.memory_space<semaphore_mem>>)
        tpu.wait_dma2 semaphore(%run_scoped3A_283 : memref<!tpu.dma_semaphore, #tpu.memory_space<semaphore_mem>>) src(%arg16 : memref<64x16xf32, #tpu.memory_space<vmem_shared>>) dst(%arg14 : memref<64x16xf32, #tpu.memory_space<vmem>>)
        tpu.yield
      }) : () -> ()
      "tpu.region"() ({
        %run_scoped3A_283 = tpu.sem_alloc : memref<!tpu.dma_semaphore, #tpu.memory_space<semaphore_mem>>
        %dma_start3A_284 = arith.constant 0 : i32
        %dma_start3A_285 = arith.constant 0 : i32
        %dma_start3A_286 = tpu.memref_slice %arg8[%arg0, %dma_start3A_284, %dma_start3A_285] : memref<2x64x16xf32, #tpu.memory_space<hbm>> -> memref<1x64x16xf32, #tpu.memory_space<hbm>>
        %dma_start3A_287 = tpu.memref_squeeze %dma_start3A_286 : memref<1x64x16xf32, #tpu.memory_space<hbm>> -> memref<64x16xf32, #tpu.memory_space<hbm>>
        %dma_start3A_288 = arith.constant 0 : i32
        %dma_start3A_289 = arith.constant 0 : i32
        %dma_start3A_290 = tpu.memref_slice %arg8[%arg0, %dma_start3A_288, %dma_start3A_289] : memref<2x64x16xf32, #tpu.memory_space<hbm>> -> memref<1x64x16xf32, #tpu.memory_space<hbm>>
        %dma_start3A_291 = tpu.memref_squeeze %dma_start3A_290 : memref<1x64x16xf32, #tpu.memory_space<hbm>> -> memref<64x16xf32, #tpu.memory_space<hbm>>
        tpu.enqueue_dma source(%arg14 : memref<64x16xf32, #tpu.memory_space<vmem>>) target(%dma_start3A_291 : memref<64x16xf32, #tpu.memory_space<hbm>>) target_semaphore(%run_scoped3A_283 : memref<!tpu.dma_semaphore, #tpu.memory_space<semaphore_mem>>)
        %dma_wait3A_292 = arith.constant 0 : i32
        %dma_wait3A_293 = arith.constant 0 : i32
        %dma_wait3A_294 = tpu.memref_slice %arg8[%arg0, %dma_wait3A_292, %dma_wait3A_293] : memref<2x64x16xf32, #tpu.memory_space<hbm>> -> memref<1x64x16xf32, #tpu.memory_space<hbm>>
        %dma_wait3A_295 = tpu.memref_squeeze %dma_wait3A_294 : memref<1x64x16xf32, #tpu.memory_space<hbm>> -> memref<64x16xf32, #tpu.memory_space<hbm>>
        %dma_wait3A_296 = arith.constant 0 : i32
        %dma_wait3A_297 = arith.constant 0 : i32
        %dma_wait3A_298 = tpu.memref_slice %arg8[%arg0, %dma_wait3A_296, %dma_wait3A_297] : memref<2x64x16xf32, #tpu.memory_space<hbm>> -> memref<1x64x16xf32, #tpu.memory_space<hbm>>
        %dma_wait3A_299 = tpu.memref_squeeze %dma_wait3A_298 : memref<1x64x16xf32, #tpu.memory_space<hbm>> -> memref<64x16xf32, #tpu.memory_space<hbm>>
        tpu.wait_dma2 semaphore(%run_scoped3A_283 : memref<!tpu.dma_semaphore, #tpu.memory_space<semaphore_mem>>) src(%arg14 : memref<64x16xf32, #tpu.memory_space<vmem>>) dst(%dma_wait3A_299 : memref<64x16xf32, #tpu.memory_space<hbm>>)
        tpu.yield
      }) : () -> ()
    } else {
    }
    return
  }
}

module attributes {stable_mosaic.version = 14 : i64} {
  func.func @_mlp_body(%arg0: memref<2x64x128xf32, #tpu.memory_space<vmem>>, %arg1: memref<2x64x16xf32, #tpu.memory_space<vmem>>, %arg2: memref<64x128xf32, #tpu.memory_space<vmem>>, %arg3: memref<64x128xf32, #tpu.memory_space<vmem>>, %arg4: memref<128x64xf32, #tpu.memory_space<vmem>>, %arg5: memref<1x64xf32, #tpu.memory_space<vmem>>, %arg6: memref<64x1xf32, #tpu.memory_space<vmem>>, %arg7: memref<1x1xf32, #tpu.memory_space<vmem>>, %arg8: memref<64x1xf32, #tpu.memory_space<vmem>>) attributes {dimension_semantics = [], scalar_prefetch = 0 : i64, scratch_operands = 0 : i64, tpu.core_type = #tpu.core_type<tc>} {
    %get3A = arith.constant 0 : index
    %get3A_0 = arith.constant 0 : index
    %get3A_1 = arith.constant 0 : index
    %get3A_2 = vector.load %arg0[%get3A, %get3A_0, %get3A_1] : memref<2x64x128xf32, #tpu.memory_space<vmem>>, vector<1x64x128xf32>
    %get3A_3 = vector.shape_cast %get3A_2 : vector<1x64x128xf32> to vector<64x128xf32>
    %get3A_4 = arith.constant 1 : index
    %get3A_5 = arith.constant 0 : index
    %get3A_6 = arith.constant 0 : index
    %get3A_7 = vector.load %arg0[%get3A_4, %get3A_5, %get3A_6] : memref<2x64x128xf32, #tpu.memory_space<vmem>>, vector<1x64x128xf32>
    %get3A_8 = vector.shape_cast %get3A_7 : vector<1x64x128xf32> to vector<64x128xf32>
    %add3A = arith.addf %get3A_3, %get3A_8 : vector<64x128xf32>
    %get3A_9 = arith.constant 0 : index
    %get3A_10 = arith.constant 0 : index
    %get3A_11 = vector.load %arg2[%get3A_9, %get3A_10] : memref<64x128xf32, #tpu.memory_space<vmem>>, vector<64x128xf32>
    %add3A_12 = arith.addf %add3A, %get3A_11 : vector<64x128xf32>
    %get3A_13 = arith.constant 0 : index
    %get3A_14 = arith.constant 0 : index
    %get3A_15 = arith.constant 0 : index
    %get3A_16 = vector.load %arg1[%get3A_13, %get3A_14, %get3A_15] : memref<2x64x16xf32, #tpu.memory_space<vmem>>, vector<1x64x1xf32>
    %get3A_17 = vector.shape_cast %get3A_16 : vector<1x64x1xf32> to vector<64xf32>
    %get3A_18 = arith.constant 1 : index
    %get3A_19 = arith.constant 0 : index
    %get3A_20 = arith.constant 0 : index
    %get3A_21 = vector.load %arg1[%get3A_18, %get3A_19, %get3A_20] : memref<2x64x16xf32, #tpu.memory_space<vmem>>, vector<1x64x1xf32>
    %get3A_22 = vector.shape_cast %get3A_21 : vector<1x64x1xf32> to vector<64xf32>
    %add3A_23 = arith.addf %get3A_17, %get3A_22 : vector<64xf32>
    %get3A_24 = arith.constant 0 : index
    %get3A_25 = arith.constant 0 : index
    %get3A_26 = vector.load %arg3[%get3A_24, %get3A_25] : memref<64x128xf32, #tpu.memory_space<vmem>>, vector<64x1xf32>
    %get3A_27 = vector.shape_cast %get3A_26 : vector<64x1xf32> to vector<64xf32>
    %add3A_28 = arith.addf %add3A_23, %get3A_27 : vector<64xf32>
    %max3A = arith.constant 1.000000e+00 : f32
    %max3A_29 = vector.broadcast %max3A : f32 to vector<64xf32>
    %max3A_30 = arith.maximumf %add3A_28, %max3A_29 : vector<64xf32>
    %broadcast_in_dim3A = vector.shape_cast %max3A_30 : vector<64xf32> to vector<64x1xf32>
    %div3A = vector.broadcast %broadcast_in_dim3A : vector<64x1xf32> to vector<64x128xf32>
    %div3A_31 = arith.divf %add3A_12, %div3A : vector<64x128xf32>
    %get3A_32 = arith.constant 0 : index
    %get3A_33 = arith.constant 0 : index
    %get3A_34 = vector.load %arg4[%get3A_32, %get3A_33] : memref<128x64xf32, #tpu.memory_space<vmem>>, vector<128x64xf32>
    %dot_general3A = arith.constant dense<0.000000e+00> : vector<64x64xf32>
    %dot_general3A_35 = tpu.matmul %div3A_31, %get3A_34, %dot_general3A {dimension_numbers = #tpu.dot_dimension_numbers<[1], [0], [0], [1], [0, 0, 1, 1], [], []>, precision = #tpu.contract_precision<fp32>, transpose_lhs_hint = false} : vector<64x128xf32>, vector<128x64xf32>, vector<64x64xf32> -> vector<64x64xf32>
    %get3A_36 = arith.constant 0 : index
    %get3A_37 = arith.constant 0 : index
    %get3A_38 = vector.load %arg5[%get3A_36, %get3A_37] : memref<1x64xf32, #tpu.memory_space<vmem>>, vector<1x64xf32>
    %get3A_39 = vector.shape_cast %get3A_38 : vector<1x64xf32> to vector<64xf32>
    %broadcast_in_dim3A_40 = vector.shape_cast %get3A_39 : vector<64xf32> to vector<1x64xf32>
    %add3A_41 = vector.broadcast %broadcast_in_dim3A_40 : vector<1x64xf32> to vector<64x64xf32>
    %add3A_42 = arith.addf %dot_general3A_35, %add3A_41 : vector<64x64xf32>
    %gt3A = arith.constant 0.000000e+00 : f32
    %gt3A_43 = vector.broadcast %gt3A : f32 to vector<64x64xf32>
    %gt3A_44 = arith.cmpf ogt, %add3A_42, %gt3A_43 : vector<64x64xf32>
    %exp3A = math.exp %add3A_42 : vector<64x64xf32>
    %sub3A = arith.constant 1.000000e+00 : f32
    %sub3A_45 = vector.broadcast %sub3A : f32 to vector<64x64xf32>
    %sub3A_46 = arith.subf %exp3A, %sub3A_45 : vector<64x64xf32>
    %mul3A = arith.constant 1.67326319 : f32
    %mul3A_47 = vector.broadcast %mul3A : f32 to vector<64x64xf32>
    %mul3A_48 = arith.mulf %mul3A_47, %sub3A_46 : vector<64x64xf32>
    %select_n3A = arith.select %gt3A_44, %add3A_42, %mul3A_48 : vector<64x64xi1>, vector<64x64xf32>
    %mul3A_49 = arith.constant 1.05070102 : f32
    %mul3A_50 = vector.broadcast %mul3A_49 : f32 to vector<64x64xf32>
    %mul3A_51 = arith.mulf %mul3A_50, %select_n3A : vector<64x64xf32>
    %get3A_52 = arith.constant 0 : index
    %get3A_53 = arith.constant 0 : index
    %get3A_54 = vector.load %arg6[%get3A_52, %get3A_53] : memref<64x1xf32, #tpu.memory_space<vmem>>, vector<64x1xf32>
    %dot_general3A_55 = arith.constant dense<0.000000e+00> : vector<64x1xf32>
    %dot_general3A_56 = tpu.matmul %mul3A_51, %get3A_54, %dot_general3A_55 {dimension_numbers = #tpu.dot_dimension_numbers<[1], [0], [0], [1], [0, 0, 1, 1], [], []>, precision = #tpu.contract_precision<fp32>, transpose_lhs_hint = false} : vector<64x64xf32>, vector<64x1xf32>, vector<64x1xf32> -> vector<64x1xf32>
    %get3A_57 = arith.constant 0 : index
    %get3A_58 = arith.constant 0 : index
    %get3A_59 = vector.load %arg7[%get3A_57, %get3A_58] : memref<1x1xf32, #tpu.memory_space<vmem>>, vector<1x1xf32>
    %get3A_60 = vector.shape_cast %get3A_59 : vector<1x1xf32> to vector<1xf32>
    %broadcast_in_dim3A_61 = vector.shape_cast %get3A_60 : vector<1xf32> to vector<1x1xf32>
    %add3A_62 = vector.broadcast %broadcast_in_dim3A_61 : vector<1x1xf32> to vector<64x1xf32>
    %add3A_63 = arith.addf %dot_general3A_56, %add3A_62 : vector<64x1xf32>
    %swap3A = arith.constant 0 : index
    %swap3A_64 = arith.constant 0 : index
    %swap3A_65 = vector.load %arg8[%swap3A, %swap3A_64] : memref<64x1xf32, #tpu.memory_space<vmem>>, vector<64x1xf32>
    tpu.vector_store %arg8[%swap3A, %swap3A_64], %add3A_63 {strides = array<i32>} : memref<64x1xf32, #tpu.memory_space<vmem>>, vector<64x1xf32>,
    return
  }
}

module attributes {stable_mosaic.version = 14 : i64} {
  func.func @_tc_partial_body(%arg0: i32, %arg1: memref<14000x128xf32, #tpu.memory_space<vmem>>, %arg2: memref<4x14000xi32, #tpu.memory_space<vmem>>, %arg3: memref<64x128xf32, #tpu.memory_space<vmem>>, %arg4: memref<64x128xf32, #tpu.memory_space<vmem>>) attributes {dimension_semantics = [#tpu.dimension_semantics<arbitrary>], iteration_bounds = array<i64: 4>, scalar_prefetch = 0 : i64, scratch_operands = 0 : i64, tpu.core_type = #tpu.core_type<tc>, window_params = [{transform_indices = @transform_0, window_bounds = array<i64: 14000, 128>}, {pipeline_mode = #tpu.pipeline_mode<synchronous>, transform_indices = @transform_1, window_bounds = array<i64: 4, 14000>}, {pipeline_mode = #tpu.pipeline_mode<synchronous>, transform_indices = @transform_2, window_bounds = array<i64: 64, 128>}, {pipeline_mode = #tpu.pipeline_mode<synchronous>, transform_indices = @transform_3, window_bounds = array<i64: 64, 128>}]} {
    %eq3A = arith.constant 0 : i32
    %eq3A_0 = arith.cmpi eq, %arg0, %eq3A : i32
    %convert_element_type3A = arith.extui %eq3A_0 : i1 to i32
    %cond3A = arith.constant 0 : i32
    %cond3A_1 = arith.cmpi ne, %convert_element_type3A, %cond3A : i32
    scf.if %cond3A_1 {
      %broadcast_in_dim3A_29 = arith.constant 0.000000e+00 : f32
      %broadcast_in_dim3A_30 = vector.broadcast %broadcast_in_dim3A_29 : f32 to vector<64x128xf32>
      %swap3A_31 = arith.constant 0 : index
      %swap3A_32 = arith.constant 0 : index
      %swap3A_33 = vector.load %arg3[%swap3A_31, %swap3A_32] : memref<64x128xf32, #tpu.memory_space<vmem>>, vector<64x128xf32>
      tpu.vector_store %arg3[%swap3A_31, %swap3A_32], %broadcast_in_dim3A_30 {strides = array<i32>} : memref<64x128xf32, #tpu.memory_space<vmem>>, vector<64x128xf32>,
      %broadcast_in_dim3A_34 = arith.constant 0.000000e+00 : f32
      %broadcast_in_dim3A_35 = vector.broadcast %broadcast_in_dim3A_34 : f32 to vector<64x128xf32>
      %swap3A_36 = arith.constant 0 : index
      %swap3A_37 = arith.constant 0 : index
      %swap3A_38 = vector.load %arg4[%swap3A_36, %swap3A_37] : memref<64x128xf32, #tpu.memory_space<vmem>>, vector<64x128xf32>
      tpu.vector_store %arg4[%swap3A_36, %swap3A_37], %broadcast_in_dim3A_35 {strides = array<i32>} : memref<64x128xf32, #tpu.memory_space<vmem>>, vector<64x128xf32>,
    } else {
    }
    %get3A = arith.index_cast %arg0 : i32 to index
    %get3A_2 = arith.constant 0 : index
    %get3A_3 = vector.load %arg2[%get3A, %get3A_2] : memref<4x14000xi32, #tpu.memory_space<vmem>>, vector<1x14000xi32>
    %get3A_4 = vector.shape_cast %get3A_3 : vector<1x14000xi32> to vector<14000xi32>
    %broadcast_in_dim3A = vector.shape_cast %get3A_4 : vector<14000xi32> to vector<1x14000xi32>
    %iota3A = tpu.iota {dimensions = array<i32: 0>} : vector<64x14000xi32>
    %eq3A_5 = vector.broadcast %broadcast_in_dim3A : vector<1x14000xi32> to vector<64x14000xi32>
    %eq3A_6 = arith.cmpi eq, %iota3A, %eq3A_5 : vector<64x14000xi32>
    %convert_element_type3A_7 = arith.extui %eq3A_6 : vector<64x14000xi1> to vector<64x14000xi32>
    %convert_element_type3A_8 = arith.sitofp %convert_element_type3A_7 : vector<64x14000xi32> to vector<64x14000xf32>
    %get3A_9 = arith.constant 0 : index
    %get3A_10 = arith.constant 0 : index
    %get3A_11 = vector.load %arg3[%get3A_9, %get3A_10] : memref<64x128xf32, #tpu.memory_space<vmem>>, vector<64x128xf32>
    %get3A_12 = arith.constant 0 : index
    %get3A_13 = arith.constant 0 : index
    %get3A_14 = vector.load %arg1[%get3A_12, %get3A_13] : memref<14000x128xf32, #tpu.memory_space<vmem>>, vector<14000x128xf32>
    %dot_general3A = arith.constant dense<0.000000e+00> : vector<64x128xf32>
    %dot_general3A_15 = tpu.matmul %convert_element_type3A_8, %get3A_14, %dot_general3A {dimension_numbers = #tpu.dot_dimension_numbers<[1], [0], [0], [1], [0, 0, 1, 1], [], []>, precision = #tpu.contract_precision<fp32>, transpose_lhs_hint = false} : vector<64x14000xf32>, vector<14000x128xf32>, vector<64x128xf32> -> vector<64x128xf32>
    %add3A = arith.addf %get3A_11, %dot_general3A_15 : vector<64x128xf32>
    %swap3A = arith.constant 0 : index
    %swap3A_16 = arith.constant 0 : index
    %swap3A_17 = vector.load %arg3[%swap3A, %swap3A_16] : memref<64x128xf32, #tpu.memory_space<vmem>>, vector<64x128xf32>
    tpu.vector_store %arg3[%swap3A, %swap3A_16], %add3A {strides = array<i32>} : memref<64x128xf32, #tpu.memory_space<vmem>>, vector<64x128xf32>,
    %get3A_18 = arith.constant 0 : index
    %get3A_19 = arith.constant 0 : index
    %get3A_20 = vector.load %arg4[%get3A_18, %get3A_19] : memref<64x128xf32, #tpu.memory_space<vmem>>, vector<64x128xf32>
    %reduce_sum3A = arith.constant dense<0.000000e+00> : vector<64xf32>
    %reduce_sum3A_21 = vector.multi_reduction <add>, %convert_element_type3A_8, %reduce_sum3A [1] : vector<64x14000xf32> to vector<64xf32>
    %broadcast_in_dim3A_22 = vector.shape_cast %reduce_sum3A_21 : vector<64xf32> to vector<64x1xf32>
    %broadcast_in_dim3A_23 = vector.shape_cast %broadcast_in_dim3A_22 : vector<64x1xf32> to vector<64x1xf32>
    %broadcast_in_dim3A_24 = vector.broadcast %broadcast_in_dim3A_23 : vector<64x1xf32> to vector<64x128xf32>
    %add3A_25 = arith.addf %get3A_20, %broadcast_in_dim3A_24 : vector<64x128xf32>
    %swap3A_26 = arith.constant 0 : index
    %swap3A_27 = arith.constant 0 : index
    %swap3A_28 = vector.load %arg4[%swap3A_26, %swap3A_27] : memref<64x128xf32, #tpu.memory_space<vmem>>, vector<64x128xf32>
    tpu.vector_store %arg4[%swap3A_26, %swap3A_27], %add3A_25 {strides = array<i32>} : memref<64x128xf32, #tpu.memory_space<vmem>>, vector<64x128xf32>,
    return
  }
  func.func @transform_0(%arg0: i32) -> (i32, i32) {
    %c0_i32 = arith.constant 0 : i32
    %c0_i32_0 = arith.constant 0 : i32
    return %arg0, %c0_i32 : i32, i32
  }
  func.func @transform_1(%arg0: i32) -> (i32, i32) {
    %c0_i32 = arith.constant 0 : i32
    %c0_i32_0 = arith.constant 0 : i32
    %c0_i32_1 = arith.constant 0 : i32
    return %c0_i32, %c0_i32_0 : i32, i32
  }
  func.func @transform_2(%arg0: i32) -> (i32, i32) {
    %c0_i32 = arith.constant 0 : i32
    %c0_i32_0 = arith.constant 0 : i32
    %c0_i32_1 = arith.constant 0 : i32
    return %c0_i32, %c0_i32_0 : i32, i32
  }
  func.func @transform_3(%arg0: i32) -> (i32, i32) {
    %c0_i32 = arith.constant 0 : i32
    %c0_i32_0 = arith.constant 0 : i32
    %c0_i32_1 = arith.constant 0 : i32
    return %c0_i32, %c0_i32_0 : i32, i32
  }
}

</mosaic_0001>

<sc_bundles>
// kernel: kernel.5.cloned.1.call-start
scs
__scs_entry_jumppad:
0x0: {  	(pc) =	sbr.rel $0x88, $3  }
0x1: {  	(tag) =	ssettag $0x0;
	lr =	simm.s32 $0x1  }
0x2: {  	[smem:$0x3F9B] =	sst lr;
	_ =	strace $0xD0000000  }
0x3: {  	_ = 	snop  }
0x4: {  	_ = 	snop  }
0x5: {  	_ = 	snop  }
0x6: {  	_ = 	snop  }
0x7: {  	_ = 	snop  }
__scs_overlays_trampoline_lowered:
0x8: {  	[smem:$0x3FAA] =	sst s0  }
0x9: {  	[smem:$0x3FAB] =	sst s1  }
0xa: {  	[smem:$0x3FAC] =	sst s2  }
0xb: {  	[smem:$0x3FAD] =	sst s3  }
0xc: {  	[smem:$0x3FAE] =	sst s4  }
0xd: {  	[smem:$0x3FAF] =	sst s5  }
0xe: {  	[smem:$0x3FB0] =	sst s6  }
0xf: {  	[smem:$0x3FB1] =	sst s7  }
0x10: {  	[smem:$0x3FB2] =	sst s8  }
0x11: {  	[smem:$0x3FB3] =	sst s9;
	s0 =	simm.s32 @!p0 $0x0  }
0x12: {  	s1 =	sld [smem:$0x3F99];
	s0 =	simm.s32 @p0 $0x1  }
0x13: {  	[smem:$0x3FB4] =	sst s0;
	s0 =	simm.s32 @!p1 $0x0  }
0x14: {  	s2 =	sld [smem:$0x3F98];
	s0 =	simm.s32 @p1 $0x1  }
0x15: {  	[smem:$0x3FB5] =	sst s0;
	s0 =	simm.s32 @!p2 $0x0  }
0x16: {  	s3 =	sld [smem:$0x3FDB];
	s0 =	simm.s32 @p2 $0x1  }
0x17: {  	s4 =	simm.s32 $0x1BF5;
	[smem:$0x3FB7] =	sst s0  }
0x18: {  	s0 =	sld [smem:$0x3F9A];
	_ =	swait.ge [sflag:s4], $0x0  }
0x19: {  	s7 =	sld [smem:$0x3F9B]  }
0x1a: {  	s8 =	sadd.s32 $0xFFFFE003, lr  }
0x1b: {  	s9 =	sadd.s32 $0xFFFFFEF7, lr;
	s5 =	simm.s32 $0xFFFFFFFF;
	p2 =	slt.u32 s8, $0xFFFFF086  }
0x1c: {  	p1 =	slt.u32 s9, $0xF7A;
	s5 =	simm.s32 @!p2 $0x0  }
0x1d: {  	s5 =	simm.s32 @p1 $0x1;
	p0 =	seq.s32 s7, s2  }
0x1e: {  	s7 =	smul.u32 @!p0 $0xF7A, s2;
	p2 =	seq.s32 @!p0 s5, $0x0  }
0x1f: {  	s9 =	smul.u32 $0xF7A, s1;
	s8 =	simm.s32 @!p0 $0x1BF5;
	p2 =	por !p2, p0  }
0x20: {  	[sflag:s8] =	ssyncset.s32 @!p0 $0xFFFFF086;
	s6 =	sadd.s32 @!p0 s3, s7;
	s7 =	simm.s32 @!p0 $0x108  }
0x21: {  	s3 =	sadd.s32 s3, s9;
	s6 =	sadd.s32 @!p0 $0x88, s6;
	s7 =	simm.s32 @p2 $0x1082  }
0x22: {  	[simem:s7], [sflag:s8] =	dma.local @!p0 [hbm:s6], $0xF7A  }
0x23: {  	s9 =	sor.u32 $0xD0000000, s2;
	s6 =	simm.s32 $0x108;
	_ =	swait.ge @!p0 [sflag:s8], $0x0  }
0x24: {  	s3 =	sadd.s32 $0x88, s3;
	s6 =	simm.s32 @!p1 $0x1082;
	[sflag:s4] =	ssyncset.s32 $0xFFFFF086  }
0x25: {  	[simem:s6], [sflag:s4] =	dma.local [hbm:s3], $0xF7A  }
0x26: {  	[smem:$0x3F9B] =	sst s1;
	(tag) =	ssettag s2;
	_ =	strace s9  }
0x27: {  	s1 =	sld [smem:$0x3FAB]  }
0x28: {  	s2 =	sld [smem:$0x3FAC]  }
0x29: {  	s4 =	sld [smem:$0x3FAE]  }
0x2a: {  	p0 =	seq.s32 s5, $0x0;
	s5 =	sld [smem:$0x3FAF]  }
0x2b: {  	s6 =	sld [smem:$0x3FB0]  }
0x2c: {  	s7 =	sld [smem:$0x3FB1]  }
0x2d: {  	s3 =	simm.s32 $0x108;
	s8 =	sld [smem:$0x3FB2]  }
0x2e: {  	s3 =	simm.s32 @!p0 $0x1082;
	s9 =	sld [smem:$0x3FB3]  }
0x2f: {  	lr =	sadd.s32 s0, s3;
	s0 =	sld [smem:$0x3FAA]  }
0x30: {  	s3 =	sld [smem:$0x3FAD]  }
0x31: {  	[smem:$0x3FB6] =	sst s10  }
0x32: {  	s10 =	sld [smem:$0x3FB4];
	_ =	sdelay $0x3  }
0x33: {  	p0 =	seq.s32 s10, $0x1;
	s10 =	sld [smem:$0x3FB6];
	_ =	sdelay $0x3  }
0x34: {  	[smem:$0x3FB6] =	sst s10  }
0x35: {  	s10 =	sld [smem:$0x3FB5];
	_ =	sdelay $0x3  }
0x36: {  	p1 =	seq.s32 s10, $0x1;
	s10 =	sld [smem:$0x3FB6];
	_ =	sdelay $0x3  }
0x37: {  	[smem:$0x3FB6] =	sst s10  }
0x38: {  	s10 =	sld [smem:$0x3FB7]  }
0x39: {  	_ = 	snop;
	(pc) =	sbr.ind lr, $3  }
0x3a: {  	_ = 	snop  }
0x3b: {  	_ = 	snop  }
0x3c: {  	p2 =	seq.s32 s10, $0x1;
	s10 =	sld [smem:$0x3FB6]  }
0x3d: {  	_ =	shalt  }
0x3e: {  	_ =	shalt  }
0x3f: {  	_ =	shalt  }
0x40: {  	_ =	shalt  }
0x41: {  	_ =	shalt  }
0x42: {  	_ =	shalt  }
0x43: {  	_ =	shalt  }
0x44: {  	_ =	shalt  }
0x45: {  	_ =	shalt  }
0x46: {  	_ =	shalt  }
0x47: {  	_ =	shalt  }
0x48: {  	_ =	shalt  }
0x49: {  	_ =	shalt  }
0x4a: {  	_ =	shalt  }
0x4b: {  	_ =	shalt  }
0x4c: {  	_ =	shalt  }
0x4d: {  	_ =	shalt  }
0x4e: {  	_ =	shalt  }
0x4f: {  	_ =	shalt  }
0x50: {  	_ =	shalt  }
0x51: {  	_ =	shalt  }
0x52: {  	_ =	shalt  }
0x53: {  	_ =	shalt  }
0x54: {  	_ =	shalt  }
0x55: {  	_ =	shalt  }
0x56: {  	_ =	shalt  }
0x57: {  	_ =	shalt  }
0x58: {  	_ =	shalt  }
0x59: {  	_ =	shalt  }
0x5a: {  	_ =	shalt  }
0x5b: {  	_ =	shalt  }
0x5c: {  	_ =	shalt  }
0x5d: {  	_ =	shalt  }
0x5e: {  	_ =	shalt  }
0x5f: {  	_ =	shalt  }
0x60: {  	_ =	shalt  }
0x61: {  	_ =	shalt  }
0x62: {  	_ =	shalt  }
0x63: {  	_ =	shalt  }
0x64: {  	_ =	shalt  }
0x65: {  	_ =	shalt  }
0x66: {  	_ =	shalt  }
0x67: {  	_ =	shalt  }
0x68: {  	_ =	shalt  }
0x69: {  	_ =	shalt  }
0x6a: {  	_ =	shalt  }
0x6b: {  	_ =	shalt  }
0x6c: {  	_ =	shalt  }
0x6d: {  	_ =	shalt  }
0x6e: {  	_ =	shalt  }
0x6f: {  	_ =	shalt  }
0x70: {  	_ =	shalt  }
0x71: {  	_ =	shalt  }
0x72: {  	_ =	shalt  }
0x73: {  	_ =	shalt  }
0x74: {  	_ =	shalt  }
0x75: {  	_ =	shalt  }
0x76: {  	_ =	shalt  }
0x77: {  	_ =	shalt  }
0x78: {  	_ =	shalt  }
0x79: {  	_ =	shalt  }
0x7a: {  	_ =	shalt  }
0x7b: {  	_ =	shalt  }
0x7c: {  	_ =	shalt  }
0x7d: {  	_ =	shalt  }
0x7e: {  	_ =	shalt  }
0x7f: {  	_ =	shalt  }
0x80: {  	_ =	shalt  }
0x81: {  	_ =	shalt  }
0x82: {  	_ =	shalt  }
0x83: {  	_ =	shalt  }
0x84: {  	_ =	shalt  }
0x85: {  	_ =	shalt  }
0x86: {  	_ =	shalt  }
0x87: {  	_ =	shalt  }
.Lfunc_end0:
.L_simem_size_0:
called_computation_lowered:
.L_overlay_start_0:
0x88: {  	s2 =	sld [smem:$0x3FD9]  }
0x89: {  	s3 =	sld [smem:$0x3FFE];
	_ =	sdelay $0x1  }
0x8a: {  	s1 =	srdreg.scid  }
0x8b: {  	s0 =	sand.u32 $0x1, s1  }
0x8c: {  	s17 =	sshll.u32 s0, $0xA;
	s2 =	sadd.s32 s3, s2  }
0x8d: {  	s2 =	sadd.s32 s2, s17  }
0x8e: {  	[smem:$0x3FC2] =	sst s2  }
0x8f: {  	_ = 	snop  }
0x90: {  	s2 =	sld [smem:$0x3FC9];
	(tm) =	ssettm $0x1  }
0x91: {  	s18 =	sld [smem:$0x3FFB];
	_ =	sdelay $0x3  }
0x92: {  	_ =	strace s18  }
0x93: {  	s3 =	sld [smem:$0x3FFC];
	_ =	sdelay $0x3  }
0x94: {  	_ =	strace s3  }
0x95: {  	s3 =	sld [smem:$0x3FFD];
	_ =	sdelay $0x3  }
0x96: {  	_ =	strace s3  }
0x97: {  	_ =	strace $0x8FFFFFFF  }
0x98: {  	s19 =	sld [smem:$0x3FDB];
	_ =	sdelay $0x1  }
0x99: {  	s4 =	simm.s32 $_scs_section_size  }
0x9a: {  	s5 =	simm.s32 $_size__tile_overlayer_lowered;
	s6 =	simm.s32 $_tile_overlayer_lowered  }
0x9b: {  	s22 =	simm.s32 $0x1BFF;
	s21 =	sshll.u32 s6, $0x1;
	s3 =	sadd.s32 s4, s19  }
0x9c: {  	s7 =	simm.s32 $0x0;
	s20 =	sshll.u32 s5, $0x1;
	s5 =	sadd.s32 s21, s3  }
0x9d: {  	[timem:s7], [sflag:s22] =	dma.local [hbm:s5], s20  }
0x9e: {  	_ =	swait.ge [sflag:s22], s20  }
0x9f: {  	s4 =	ssub.s32 $0x0, s20;
	[sflag:s22] =	ssyncset.done $0x0  }
0xa0: {  	[sflag:s22] =	ssyncadd.s32 s4;
	_ =	sdelay $0x1  }
0xa1: {  	s23 =	simm.s32 $0x1B8B  }
0xa2: {  	_ =	swait.ge [sflag:s23], $0x1  }
0xa3: {  	[sflag:s23] =	ssyncset.done $0x0  }
0xa4: {  	s25 =	simm.s32 $0x1B8E;
	s24 =	sld [smem:$0x3FFE];
	[sflag:s23] =	ssyncadd.s32 $0xFFFFFFFF  }
0xa5: {  	s26 =	simm.s32 $execute0_lowered;
	[smem:$0x3FD2] =	sst s25  }
0xa6: {  	s5 =	sshll.u32 s26, $0x1;
	_ =	strace $0x80000046;
	[dreg:$0x1] =	wrdreg $0xFFFFFFFF  }
0xa7: {  	s28 =	simm.s32 $_size_execute0_lowered;
	s3 =	sadd.s32 s3, s5;
	[dreg:$0x0] =	wrdreg $0x0  }
0xa8: {  	s5 =	sshll.u32 s28, $0x1;
	[dreg:$0x2] =	wrdreg s3  }
0xa9: {  	[dreg:$0x3] =	wrdreg s5  }
0xaa: {  	[dreg:$0x4] =	wrdreg $0xC0  }
0xab: {  	_ =	task [dreg:s7], $0x5FFFF  }
0xac: {  	[dreg:$0x1] =	wrdreg $0xFFFFFFFF  }
0xad: {  	[dreg:$0x0] =	wrdreg $0x60  }
0xae: {  	[dreg:$0x2] =	wrdreg s2  }
0xaf: {  	[dreg:$0x3] =	wrdreg s24  }
0xb0: {  	[dreg:$0x4] =	wrdreg $0xAE500  }
0xb1: {  	[dreg:$0x5] =	wrdreg $0xB0500  }
0xb2: {  	[dreg:$0x6] =	wrdreg $0x9  }
0xb3: {  	_ =	task.clear_ibuf [dreg:s7], $0x7FFFF;
	_ =	strace $0x90000046  }
0xb4: {  	s29 =	simm.s32 $0x9;
	_ =	strace $0x80000048  }
0xb5: {  	_ =	swait.ge [sflag:s29], $0x1  }
0xb6: {  	[sflag:s29] =	ssyncadd.s32 $0xFFFFFFFF  }
0xb7: {  	_ =	strace $0x90000048  }
0xb8: {  	_ =	sfence  }
0xb9: {  	s30 =	sld [smem:$0x0];
	_ =	sdelay $0x2  }
0xba: {  	s31 =	sshll.u32 s1, $0xD;
	s1 =	sshrl.u32 s1, $0x2  }
0xbb: {  	s3 =	sand.u32 $0x4000, s31;
	s1 =	sadd.s32 s1, s30  }
0xbc: {  	s0 =	sor.u32 s3, s0;
	s1 =	sshll.u32 s1, $0x11  }
0xbd: {  	s0 =	sor.u32 s1, s0  }
0xbe: {  	s0 =	sadd.s32 $0x8F2B, s0  }
0xbf: {  	[sflag:s0] =	ssyncadd.remote.s32 $0x1  }
0xc0: {  	_ =	sfence.sel $0xFFFF  }
0xc1: {  	[dreg:$0x0] =	wrdreg $0xFFFFFFFF;
	(pc) =	sbr.abs _section_cstart, $3  }
0xc2: {  	[dreg:$0x1] =	wrdreg $0xFFFFFFFF  }
0xc3: {  	_ =	task.clear_ibuf [dreg:s7], $0x2FFFF;
	_ =	strace $0x9FFFFFFF  }
0xc4: {  	(tm) =	ssettm $0x7FFFFFFF  }
0xc5: {  	_ =	shalt  }
tec
execute0_lowered:
.L_overlay_start_1:
0x0: {  	(tag) =	ssettag $0x1  }
0x1: {  	s0 =	rddreg [dreg:$0x0]  }
0x2: {  	s3 =	rddreg [dreg:$0x1]  }
0x3: {  	s1 =	srdreg.scid;
	s2 =	rddreg [dreg:$0x2]  }
0x4: {  	s6 =	stileid.u32;
	s5 =	simm.s32 $0x0;
	s13 =	simm.s32 $0x4400  }
0x5: {  	s11 =	simm.s32 $0x1;
	s10 =	simm.s32 $0x7D;
	s15 =	simm.s32 $0x2  }
0x6: {  	p1 =	por $0x0, $0x0;
	s4 =	sand.u32 $0x1, s1;
	s1 =	rddreg [dreg:$0x3]  }
0x7: {  	[smem:$0x7FF] =	sst s5;
	s9 =	sadd.s32 $0x2C00, s3;
	s16 =	sadd.s32 $0x3200, s3  }
0x8: {  	s17 =	sadd.s32 $0x3000, s3;
	p0 =	sne.s32 s6, $0x0;
	s7 =	sshll.u32 s4, $0x4  }
0x9: {  	_ =	strace $0x80000047;
	[dreg:$0x5] =	wrdreg s9;
	s7 =	sor.u32 s6, s7  }
0xa: {  	[dreg:$0x6] =	wrdreg s16;
	s20 =	sshll.u32 s4, $0xA;
	s8 =	smul.u32 $0x2AF80, s7  }
0xb: {  	s23 =	sshll.u32 s4, $0x7;
	s4 =	ssub.s32 $0x2, s4;
	s7 =	smul.u32 $0xB0, s7  }
0xc: {  	[dreg:$0x7] =	wrdreg s17;
	s17 =	simm.s32 $0x480;
	s28 =	sshrl.u32 s4, $0x1  }
0xd: {  	s6 =	simm.s32 $0x3;
	s8 =	sshrl.u32 s8, $0x3;
	s7 =	sadd.s32 s7, s3  }
0xe: {  	s9 =	ssub.s32 s4, s28;
	s0 =	sadd.s32 s0, s8;
	s7 =	sadd.s32 $0x1600, s7  }
0xf: {  	s4 =	simm.s32 $0x500;
	s8 =	sadd.s32 $0xDAC00, s0;
	[dreg:$0x9] =	wrdreg s7  }
0x10: {  	s30 =	smax.u32 s9, $0x1;
	s18 =	sadd.s32 $0xDB3D0, s0;
	[dreg:$0x8] =	wrdreg s8  }
0x11: {  	s9 =	simm.s32 $0x8280;
	s19 =	sadd.s32 $0xDBBA0, s0;
	[dreg:$0xa] =	wrdreg s18  }
0x12: {  	s31 =	sadd.s32 $0xFFFFFFFF, s30;
	s21 =	sadd.s32 $0xDC370, s0;
	[dreg:$0xb] =	wrdreg s19  }
0x13: {  	p2 =	sne.s32 s31, $0x0;
	s22 =	sadd.s32 $0xDCB40, s0;
	[dreg:$0xc] =	wrdreg s21  }
0x14: {  	s24 =	sadd.s32 $0xDD310, s0;
	s25 =	sadd.s32 $0xDDAE0, s0;
	[dreg:$0xd] =	wrdreg s22  }
0x15: {  	s26 =	sadd.s32 $0xDE2B0, s0;
	s29 =	sadd.s32 $0xDEA80, s0;
	[dreg:$0xe] =	wrdreg s24  }
0x16: {  	s16 =	sadd.s32 $0xDF250, s0;
	s14 =	sadd.s32 $0xDFA20, s0;
	[dreg:$0xf] =	wrdreg s25  }
0x17: {  	s7 =	simm.s32 $0x4;
	s8 =	sadd.s32 s20, s3;
	[dreg:$0x10] =	wrdreg s26  }
.Ltmp0:
0x18: {  	s3 =	sadd.s32 s23, s3;
	[dreg:$0x11] =	wrdreg s29;
	(pc) =	sbr.rel @!p2 .LBB2_1-.Ltmp0, $4  }
0x19: {  	s25 =	simm.s32 $0x80;
	s24 =	simm.s32 $0x100;
	s23 =	simm.s32 $0x180  }
0x1a: {  	s22 =	simm.s32 $0x200;
	s21 =	simm.s32 $0x280;
	s20 =	simm.s32 $0x300  }
0x1b: {  	s19 =	simm.s32 $0x380;
	s18 =	simm.s32 $0x400;
	s12 =	sadd.s32 $0x3600, s8  }
0x1c: {  	s3 =	sadd.s32 $0x3400, s3;
	s8 =	simm.s32 $0x580;
	s0 =	rddreg [dreg:$0x8]  }
0x1d: {  	[tilespmem:s8], [sflag:$0x1] =	stream.linear.gather [hbm4b:s0+s5], $0x3E80, $0x38;
	[tilespmem:$0xB090] =	vst v63  }
0x1e: {  	s26 =	rddreg [dreg:$0x9]  }
0x1f: {  	[tilespmem:s5], [sflag:$0x4] =	stream.linear.gather [hbm4b:s26+s5], $0x580, $0x38;
	[tilespmem:$0xB090] =	vst v63  }
0x20: {  	_ =	swait.ge [sflag:s7], $0x580  }
0x21: {  	[sflag:s7] =	ssyncset.done $0x0  }
0x22: {  	s26 =	rddreg [dreg:$0x7];
	[sflag:s7] =	ssyncadd.s32 $0xFFFFFA80  }
0x23: {  	[tilespmem:s9], [sflag:$0x4] =	stream.linear.gather [hbm4b:s26+s5], $0x7D0, $0x38;
	[tilespmem:$0xB090] =	vst v63  }
0x24: {  	_ =	swait.ge [sflag:s7], $0x7D0  }
0x25: {  	s28 =	simm.s32 @!p0 $0x0;
	s29 =	simm.s32 @!p0 $0x8A50;
	[sflag:s7] =	ssyncset.done $0x0  }
0x26: {  	s26 =	simm.s32 @!p0 $0x4;
	s0 =	rddreg [dreg:$0x5];
	[sflag:s7] =	ssyncadd.s32 $0xFFFFF830  }
0x27: {  	[tilespmem:s29], [sflag:$0x4] =	stream.linear.gather @!p0 [hbm4b:s0+s28], $0x2000, $0x38;
	[tilespmem:$0xB090] =	vst v63  }
0x28: {  	_ =	swait.ge @!p0 [sflag:s26], $0x2000  }
0x29: {  	[sflag:s26] =	ssyncset.done @!p0 $0x0  }
0x2a: {  	[sflag:s26] =	ssyncadd.s32 @!p0 $0xFFFFE000  }
0x2b: {  	[spmem:s2] =	stream.linear.scatter @!p0 [tilespmem:s29], [sflag:$0x4], $0x2000, $0x38;
	[tilespmem:$0xB090] =	vst v63  }
0x2c: {  	_ =	swait.ge @!p0 [sflag:s26], $0x2000  }
0x2d: {  	[sflag:s26] =	ssyncset.done @!p0 $0x0  }
0x2e: {  	s30 =	simm.s32 @!p0 $0xAA50;
	s0 =	rddreg [dreg:$0x6];
	[sflag:s26] =	ssyncadd.s32 @!p0 $0xFFFFE000  }
0x2f: {  	[tilespmem:s30], [sflag:$0x4] =	stream.linear.gather @!p0 [hbm4b:s0+s28], $0x400, $0x38;
	[tilespmem:$0xB090] =	vst v63  }
0x30: {  	_ =	swait.ge @!p0 [sflag:s26], $0x400  }
0x31: {  	[sflag:s26] =	ssyncset.done @!p0 $0x0  }
0x32: {  	[sflag:s26] =	ssyncadd.s32 @!p0 $0xFFFFFC00  }
0x33: {  	[spmem:s1] =	stream.linear.scatter @!p0 [tilespmem:s30], [sflag:$0x4], $0x400, $0x38;
	[tilespmem:$0xB090] =	vst v63  }
0x34: {  	_ =	swait.ge @!p0 [sflag:s26], $0x400  }
0x35: {  	[sflag:s26] =	ssyncset.done @!p0 $0x0  }
0x36: {  	[sflag:s26] =	ssyncadd.s32 @!p0 $0xFFFFFC00  }
0x37: {  	[bflag:$0x0] =	sbarrier.arrive $0xFFFF  }
0x38: {  	s0 =	rddreg [dreg:$0xa]  }
0x39: {  	[tilespmem:s13], [sflag:$0x2] =	stream.linear.gather [hbm4b:s0+s5], $0x3E80, $0x38;
	[tilespmem:$0xB090] =	vst v63  }
0x3a: {  	_ =	swait.ge [sflag:s11], $0x3E80  }
0x3b: {  	[sflag:s11] =	ssyncset.done $0x0  }
0x3c: {  	[sflag:s11] =	ssyncadd.s32 $0xFFFFC180  }
0x3d: {  	[spmem:s1] =	stream.indirect.scatter.add.f32 [tilespmem:s9], [sflag:$0x3], $0x10, s5, s10, $0xb8;
	[tilespmem:$0xB090] =	vst v63  }
0x3e: {  	_ = 	snop  }
0x3f: {  	[spmem:s2] =	stream.indirect.scatter.add.f32 [tilespmem:s8], [sflag:$0x4], $0x80, s5, s10, $0xb8;
	[tilespmem:$0xB090] =	vst v63  }
0x40: {  	_ =	swait.ge [sflag:s7], $0x3E80  }
0x41: {  	[sflag:s7] =	ssyncset.done $0x0  }
0x42: {  	s0 =	rddreg [dreg:$0xb];
	[sflag:s7] =	ssyncadd.s32 $0xFFFFC180  }
0x43: {  	[tilespmem:s8], [sflag:$0x1] =	stream.linear.gather [hbm4b:s0+s5], $0x3E80, $0x38;
	[tilespmem:$0xB090] =	vst v63  }
0x44: {  	_ =	swait.ge [sflag:s15], $0x3E80  }
0x45: {  	[sflag:s15] =	ssyncset.done $0x0  }
0x46: {  	[sflag:s15] =	ssyncadd.s32 $0xFFFFC180  }
0x47: {  	[spmem:s1] =	stream.indirect.scatter.add.f32 [tilespmem:s9], [sflag:$0x3], $0x10, s25, s10, $0xb8;
	[tilespmem:$0xB090] =	vst v63  }
0x48: {  	_ = 	snop  }
0x49: {  	[spmem:s2] =	stream.indirect.scatter.add.f32 [tilespmem:s13], [sflag:$0x4], $0x80, s25, s10, $0xb8;
	[tilespmem:$0xB090] =	vst v63  }
0x4a: {  	_ =	swait.ge [sflag:s7], $0x3E80  }
0x4b: {  	[sflag:s7] =	ssyncset.done $0x0  }
0x4c: {  	s25 =	rddreg [dreg:$0xc];
	[sflag:s7] =	ssyncadd.s32 $0xFFFFC180  }
0x4d: {  	[tilespmem:s13], [sflag:$0x2] =	stream.linear.gather [hbm4b:s25+s5], $0x3E80, $0x38;
	[tilespmem:$0xB090] =	vst v63  }
0x4e: {  	_ =	swait.ge [sflag:s11], $0x3E80  }
0x4f: {  	[sflag:s11] =	ssyncset.done $0x0  }
0x50: {  	[sflag:s11] =	ssyncadd.s32 $0xFFFFC180  }
0x51: {  	[spmem:s1] =	stream.indirect.scatter.add.f32 [tilespmem:s9], [sflag:$0x3], $0x10, s24, s10, $0xb8;
	[tilespmem:$0xB090] =	vst v63  }
0x52: {  	_ = 	snop  }
0x53: {  	[spmem:s2] =	stream.indirect.scatter.add.f32 [tilespmem:s8], [sflag:$0x4], $0x80, s24, s10, $0xb8;
	[tilespmem:$0xB090] =	vst v63  }
0x54: {  	_ =	swait.ge [sflag:s7], $0x3E80  }
0x55: {  	[sflag:s7] =	ssyncset.done $0x0  }
0x56: {  	s24 =	rddreg [dreg:$0xd];
	[sflag:s7] =	ssyncadd.s32 $0xFFFFC180  }
0x57: {  	[tilespmem:s8], [sflag:$0x1] =	stream.linear.gather [hbm4b:s24+s5], $0x3E80, $0x38;
	[tilespmem:$0xB090] =	vst v63  }
0x58: {  	_ =	swait.ge [sflag:s15], $0x3E80  }
0x59: {  	[sflag:s15] =	ssyncset.done $0x0  }
0x5a: {  	[sflag:s15] =	ssyncadd.s32 $0xFFFFC180  }
0x5b: {  	[spmem:s1] =	stream.indirect.scatter.add.f32 [tilespmem:s9], [sflag:$0x3], $0x10, s23, s10, $0xb8;
	[tilespmem:$0xB090] =	vst v63  }
0x5c: {  	_ = 	snop  }
0x5d: {  	[spmem:s2] =	stream.indirect.scatter.add.f32 [tilespmem:s13], [sflag:$0x4], $0x80, s23, s10, $0xb8;
	[tilespmem:$0xB090] =	vst v63  }
0x5e: {  	_ =	swait.ge [sflag:s7], $0x3E80  }
0x5f: {  	[sflag:s7] =	ssyncset.done $0x0  }
0x60: {  	s25 =	rddreg [dreg:$0xe];
	[sflag:s7] =	ssyncadd.s32 $0xFFFFC180  }
0x61: {  	[tilespmem:s13], [sflag:$0x2] =	stream.linear.gather [hbm4b:s25+s5], $0x3E80, $0x38;
	[tilespmem:$0xB090] =	vst v63  }
0x62: {  	_ =	swait.ge [sflag:s11], $0x3E80  }
0x63: {  	[sflag:s11] =	ssyncset.done $0x0  }
0x64: {  	[sflag:s11] =	ssyncadd.s32 $0xFFFFC180  }
0x65: {  	[spmem:s1] =	stream.indirect.scatter.add.f32 [tilespmem:s9], [sflag:$0x3], $0x10, s22, s10, $0xb8;
	[tilespmem:$0xB090] =	vst v63  }
0x66: {  	_ = 	snop  }
0x67: {  	[spmem:s2] =	stream.indirect.scatter.add.f32 [tilespmem:s8], [sflag:$0x4], $0x80, s22, s10, $0xb8;
	[tilespmem:$0xB090] =	vst v63  }
0x68: {  	_ =	swait.ge [sflag:s7], $0x3E80  }
0x69: {  	[sflag:s7] =	ssyncset.done $0x0  }
0x6a: {  	s23 =	rddreg [dreg:$0xf];
	[sflag:s7] =	ssyncadd.s32 $0xFFFFC180  }
0x6b: {  	[tilespmem:s8], [sflag:$0x1] =	stream.linear.gather [hbm4b:s23+s5], $0x3E80, $0x38;
	[tilespmem:$0xB090] =	vst v63  }
0x6c: {  	_ =	swait.ge [sflag:s15], $0x3E80  }
0x6d: {  	[sflag:s15] =	ssyncset.done $0x0  }
0x6e: {  	[sflag:s15] =	ssyncadd.s32 $0xFFFFC180  }
0x6f: {  	[spmem:s1] =	stream.indirect.scatter.add.f32 [tilespmem:s9], [sflag:$0x3], $0x10, s21, s10, $0xb8;
	[tilespmem:$0xB090] =	vst v63  }
0x70: {  	_ = 	snop  }
0x71: {  	[spmem:s2] =	stream.indirect.scatter.add.f32 [tilespmem:s13], [sflag:$0x4], $0x80, s21, s10, $0xb8;
	[tilespmem:$0xB090] =	vst v63  }
0x72: {  	_ =	swait.ge [sflag:s7], $0x3E80  }
0x73: {  	[sflag:s7] =	ssyncset.done $0x0  }
0x74: {  	s24 =	rddreg [dreg:$0x10];
	[sflag:s7] =	ssyncadd.s32 $0xFFFFC180  }
0x75: {  	[tilespmem:s13], [sflag:$0x2] =	stream.linear.gather [hbm4b:s24+s5], $0x3E80, $0x38;
	[tilespmem:$0xB090] =	vst v63  }
0x76: {  	_ =	swait.ge [sflag:s11], $0x3E80  }
0x77: {  	[sflag:s11] =	ssyncset.done $0x0  }
0x78: {  	[sflag:s11] =	ssyncadd.s32 $0xFFFFC180  }
0x79: {  	[spmem:s1] =	stream.indirect.scatter.add.f32 [tilespmem:s9], [sflag:$0x3], $0x10, s20, s10, $0xb8;
	[tilespmem:$0xB090] =	vst v63  }
0x7a: {  	_ = 	snop  }
0x7b: {  	[spmem:s2] =	stream.indirect.scatter.add.f32 [tilespmem:s8], [sflag:$0x4], $0x80, s20, s10, $0xb8;
	[tilespmem:$0xB090] =	vst v63  }
0x7c: {  	_ =	swait.ge [sflag:s7], $0x3E80  }
0x7d: {  	[sflag:s7] =	ssyncset.done $0x0  }
0x7e: {  	s25 =	rddreg [dreg:$0x11];
	[sflag:s7] =	ssyncadd.s32 $0xFFFFC180  }
0x7f: {  	[tilespmem:s8], [sflag:$0x1] =	stream.linear.gather [hbm4b:s25+s5], $0x3E80, $0x38;
	[tilespmem:$0xB090] =	vst v63  }
0x80: {  	_ =	swait.ge [sflag:s15], $0x3E80  }
0x81: {  	[sflag:s15] =	ssyncset.done $0x0  }
0x82: {  	[sflag:s15] =	ssyncadd.s32 $0xFFFFC180  }
0x83: {  	[spmem:s1] =	stream.indirect.scatter.add.f32 [tilespmem:s9], [sflag:$0x3], $0x10, s19, s10, $0xb8;
	[tilespmem:$0xB090] =	vst v63  }
0x84: {  	_ = 	snop  }
0x85: {  	[spmem:s2] =	stream.indirect.scatter.add.f32 [tilespmem:s13], [sflag:$0x4], $0x80, s19, s10, $0xb8;
	[tilespmem:$0xB090] =	vst v63  }
0x86: {  	_ =	swait.ge [sflag:s7], $0x3E80  }
0x87: {  	[sflag:s7] =	ssyncset.done $0x0  }
0x88: {  	[sflag:s7] =	ssyncadd.s32 $0xFFFFC180  }
0x89: {  	[tilespmem:s13], [sflag:$0x2] =	stream.linear.gather [hbm4b:s16+s5], $0x3E80, $0x38;
	[tilespmem:$0xB090] =	vst v63  }
0x8a: {  	_ =	swait.ge [sflag:s11], $0x3E80  }
0x8b: {  	[sflag:s11] =	ssyncset.done $0x0  }
0x8c: {  	[sflag:s11] =	ssyncadd.s32 $0xFFFFC180  }
0x8d: {  	[spmem:s1] =	stream.indirect.scatter.add.f32 [tilespmem:s9], [sflag:$0x3], $0x10, s18, s10, $0xb8;
	[tilespmem:$0xB090] =	vst v63  }
0x8e: {  	_ = 	snop  }
0x8f: {  	[spmem:s2] =	stream.indirect.scatter.add.f32 [tilespmem:s8], [sflag:$0x4], $0x80, s18, s10, $0xb8;
	[tilespmem:$0xB090] =	vst v63  }
0x90: {  	_ =	swait.ge [sflag:s7], $0x3E80  }
0x91: {  	[sflag:s7] =	ssyncset.done $0x0  }
0x92: {  	[sflag:s7] =	ssyncadd.s32 $0xFFFFC180  }
0x93: {  	[tilespmem:s8], [sflag:$0x1] =	stream.linear.gather [hbm4b:s14+s5], $0x3E80, $0x38;
	[tilespmem:$0xB090] =	vst v63  }
0x94: {  	_ =	swait.ge [sflag:s15], $0x3E80  }
0x95: {  	[sflag:s15] =	ssyncset.done $0x0  }
0x96: {  	[sflag:s15] =	ssyncadd.s32 $0xFFFFC180  }
0x97: {  	[spmem:s1] =	stream.indirect.scatter.add.f32 [tilespmem:s9], [sflag:$0x3], $0x10, s17, s10, $0xb8;
	[tilespmem:$0xB090] =	vst v63  }
0x98: {  	_ = 	snop  }
0x99: {  	[spmem:s2] =	stream.indirect.scatter.add.f32 [tilespmem:s13], [sflag:$0x4], $0x80, s17, s10, $0xb8;
	[tilespmem:$0xB090] =	vst v63  }
0x9a: {  	_ =	swait.ge [sflag:s7], $0x3E80  }
0x9b: {  	[sflag:s7] =	ssyncset.done $0x0  }
0x9c: {  	[sflag:s7] =	ssyncadd.s32 $0xFFFFC180  }
0x9d: {  	_ =	swait.ge [sflag:s11], $0x3E80  }
0x9e: {  	[sflag:s11] =	ssyncset.done $0x0  }
0x9f: {  	[sflag:s11] =	ssyncadd.s32 $0xFFFFC180  }
0xa0: {  	[spmem:s1] =	stream.indirect.scatter.add.f32 [tilespmem:s9], [sflag:$0x3], $0x10, s4, s10, $0xb8;
	[tilespmem:$0xB090] =	vst v63  }
0xa1: {  	_ = 	snop  }
0xa2: {  	[spmem:s2] =	stream.indirect.scatter.add.f32 [tilespmem:s8], [sflag:$0x4], $0x80, s4, s10, $0xb8;
	[tilespmem:$0xB090] =	vst v63  }
0xa3: {  	_ =	swait.ge [sflag:s7], $0x3E80  }
0xa4: {  	[sflag:s7] =	ssyncset.done $0x0  }
0xa5: {  	[sflag:s7] =	ssyncadd.s32 $0xFFFFC180  }
0xa6: {  	_ =	swait.ge [sflag:s6], $0x7D0  }
0xa7: {  	[sflag:s6] =	ssyncset.done $0x0  }
0xa8: {  	[sflag:s6] =	ssyncadd.s32 $0xFFFFF830  }
0xa9: {  	_ =	swait.ge [sflag:s6], $0x7D0  }
0xaa: {  	[sflag:s6] =	ssyncset.done $0x0  }
0xab: {  	[sflag:s6] =	ssyncadd.s32 $0xFFFFF830  }
0xac: {  	_ =	swait.ge [sflag:s6], $0x7D0  }
0xad: {  	[sflag:s6] =	ssyncset.done $0x0  }
0xae: {  	[sflag:s6] =	ssyncadd.s32 $0xFFFFF830  }
0xaf: {  	_ =	swait.ge [sflag:s6], $0x7D0  }
0xb0: {  	[sflag:s6] =	ssyncset.done $0x0  }
0xb1: {  	[sflag:s6] =	ssyncadd.s32 $0xFFFFF830  }
0xb2: {  	_ =	swait.ge [sflag:s6], $0x7D0  }
0xb3: {  	[sflag:s6] =	ssyncset.done $0x0  }
0xb4: {  	[sflag:s6] =	ssyncadd.s32 $0xFFFFF830  }
0xb5: {  	_ =	swait.ge [sflag:s6], $0x7D0  }
0xb6: {  	[sflag:s6] =	ssyncset.done $0x0  }
0xb7: {  	[sflag:s6] =	ssyncadd.s32 $0xFFFFF830  }
0xb8: {  	_ =	swait.ge [sflag:s6], $0x7D0  }
0xb9: {  	[sflag:s6] =	ssyncset.done $0x0  }
0xba: {  	[sflag:s6] =	ssyncadd.s32 $0xFFFFF830  }
0xbb: {  	_ =	swait.ge [sflag:s6], $0x7D0  }
0xbc: {  	[sflag:s6] =	ssyncset.done $0x0  }
0xbd: {  	[sflag:s6] =	ssyncadd.s32 $0xFFFFF830  }
0xbe: {  	_ =	swait.ge [sflag:s6], $0x7D0  }
0xbf: {  	[sflag:s6] =	ssyncset.done $0x0  }
0xc0: {  	[sflag:s6] =	ssyncadd.s32 $0xFFFFF830  }
0xc1: {  	_ =	swait.ge [sflag:s6], $0x7D0  }
0xc2: {  	[sflag:s6] =	ssyncset.done $0x0  }
0xc3: {  	[sflag:s6] =	ssyncadd.s32 $0xFFFFF830  }
0xc4: {  	_ =	swait.ge [sflag:s6], $0x7D0  }
0xc5: {  	[sflag:s6] =	ssyncset.done $0x0  }
0xc6: {  	[sflag:s6] =	ssyncadd.s32 $0xFFFFF830  }
0xc7: {  	[bflag:$0x0] =	sbarrier.arrive $0xFFFF  }
0xc8: {  	[tilespmem:s29], [sflag:$0x4] =	stream.linear.gather @!p0 [spmem:s2], $0x2000, $0x38;
	[tilespmem:$0xB090] =	vst v63  }
0xc9: {  	_ =	swait.ge @!p0 [sflag:s26], $0x2000  }
0xca: {  	[sflag:s26] =	ssyncset.done @!p0 $0x0  }
0xcb: {  	[sflag:s26] =	ssyncadd.s32 @!p0 $0xFFFFE000  }
0xcc: {  	[hbm4b:s12+s28] =	stream.linear.scatter @!p0 [tilespmem:s29], [sflag:$0x4], $0x2000, $0x38;
	[tilespmem:$0xB090] =	vst v63  }
0xcd: {  	_ =	swait.ge @!p0 [sflag:s26], $0x2000  }
0xce: {  	s31 =	sadd.s32 $0xFFFFFFFF, s31;
	p1 =	por $0x1, $0x1;
	[sflag:s26] =	ssyncset.done @!p0 $0x0  }
0xcf: {  	p2 =	sne.s32 s31, $0x0;
	s22 =	simm.s32 $0x280;
	[sflag:s26] =	ssyncadd.s32 @!p0 $0xFFFFE000  }
0xd0: {  	[tilespmem:s30], [sflag:$0x4] =	stream.linear.gather @!p0 [spmem:s1], $0x400, $0x38;
	[tilespmem:$0xB090] =	vst v63  }
0xd1: {  	s23 =	simm.s32 $0x200;
	s21 =	simm.s32 $0x300;
	_ =	swait.ge @!p0 [sflag:s26], $0x400  }
.Ltmp1:
0xd2: {  	s24 =	simm.s32 $0x180;
	[sflag:s26] =	ssyncset.done @!p0 $0x0;
	(pc) =	sbr.rel @!p2 .LBB2_3-.Ltmp1, $4  }
0xd3: {  	s20 =	simm.s32 $0x380;
	s25 =	simm.s32 $0x100;
	[sflag:s26] =	ssyncadd.s32 @!p0 $0xFFFFFC00  }
0xd4: {  	[hbm4b:s3+s28] =	stream.linear.scatter @!p0 [tilespmem:s30], [sflag:$0x4], $0x400, $0x38;
	[tilespmem:$0xB090] =	vst v63  }
0xd5: {  	s19 =	simm.s32 $0x400;
	s18 =	simm.s32 $0x480;
	_ =	swait.ge @!p0 [sflag:s26], $0x400  }
0xd6: {  	s17 =	simm.s32 $0x80;
	s0 =	rddreg [dreg:$0x8];
	[sflag:s26] =	ssyncset.done @!p0 $0x0  }
.LBB2_4:
0xd7: {  	[sflag:s26] =	ssyncadd.s32 @!p0 $0xFFFFFC00  }
0xd8: {  	[tilespmem:s8], [sflag:$0x1] =	stream.linear.gather [hbm4b:s0+s5], $0x3E80, $0x38;
	[tilespmem:$0xB090] =	vst v63  }
0xd9: {  	s4 =	smov.u32 s3;
	s3 =	rddreg [dreg:$0x9]  }
0xda: {  	[tilespmem:s5], [sflag:$0x4] =	stream.linear.gather [hbm4b:s3+s5], $0x580, $0x38;
	[tilespmem:$0xB090] =	vst v63  }
0xdb: {  	_ =	swait.ge [sflag:s7], $0x580  }
0xdc: {  	[sflag:s7] =	ssyncset.done $0x0  }
0xdd: {  	s0 =	rddreg [dreg:$0x7];
	[sflag:s7] =	ssyncadd.s32 $0xFFFFFA80  }
0xde: {  	[tilespmem:s9], [sflag:$0x4] =	stream.linear.gather [hbm4b:s0+s5], $0x7D0, $0x38;
	[tilespmem:$0xB090] =	vst v63  }
0xdf: {  	_ =	swait.ge [sflag:s7], $0x7D0  }
0xe0: {  	[sflag:s7] =	ssyncset.done $0x0  }
0xe1: {  	s0 =	rddreg [dreg:$0x5];
	[sflag:s7] =	ssyncadd.s32 $0xFFFFF830  }
0xe2: {  	[tilespmem:s29], [sflag:$0x4] =	stream.linear.gather @!p0 [hbm4b:s0+s28], $0x2000, $0x38;
	[tilespmem:$0xB090] =	vst v63  }
0xe3: {  	_ =	swait.ge @!p0 [sflag:s26], $0x2000  }
0xe4: {  	[sflag:s26] =	ssyncset.done @!p0 $0x0  }
0xe5: {  	[sflag:s26] =	ssyncadd.s32 @!p0 $0xFFFFE000  }
0xe6: {  	[spmem:s2] =	stream.linear.scatter @!p0 [tilespmem:s29], [sflag:$0x4], $0x2000, $0x38;
	[tilespmem:$0xB090] =	vst v63  }
0xe7: {  	_ =	swait.ge @!p0 [sflag:s26], $0x2000  }
0xe8: {  	[sflag:s26] =	ssyncset.done @!p0 $0x0  }
0xe9: {  	s0 =	rddreg [dreg:$0x6];
	[sflag:s26] =	ssyncadd.s32 @!p0 $0xFFFFE000  }
0xea: {  	[tilespmem:s30], [sflag:$0x4] =	stream.linear.gather @!p0 [hbm4b:s0+s28], $0x400, $0x38;
	[tilespmem:$0xB090] =	vst v63  }
0xeb: {  	_ =	swait.ge @!p0 [sflag:s26], $0x400  }
0xec: {  	[sflag:s26] =	ssyncset.done @!p0 $0x0  }
0xed: {  	[sflag:s26] =	ssyncadd.s32 @!p0 $0xFFFFFC00  }
0xee: {  	[spmem:s1] =	stream.linear.scatter @!p0 [tilespmem:s30], [sflag:$0x4], $0x400, $0x38;
	[tilespmem:$0xB090] =	vst v63  }
0xef: {  	_ =	swait.ge @!p0 [sflag:s26], $0x400  }
0xf0: {  	[sflag:s26] =	ssyncset.done @!p0 $0x0  }
0xf1: {  	[sflag:s26] =	ssyncadd.s32 @!p0 $0xFFFFFC00  }
0xf2: {  	[bflag:$0x0] =	sbarrier.arrive $0xFFFF  }
0xf3: {  	s0 =	rddreg [dreg:$0xa]  }
0xf4: {  	[tilespmem:s13], [sflag:$0x2] =	stream.linear.gather [hbm4b:s0+s5], $0x3E80, $0x38;
	[tilespmem:$0xB090] =	vst v63  }
0xf5: {  	_ =	swait.ge [sflag:s11], $0x3E80  }
0xf6: {  	[sflag:s11] =	ssyncset.done $0x0  }
0xf7: {  	[sflag:s11] =	ssyncadd.s32 $0xFFFFC180  }
0xf8: {  	[spmem:s1] =	stream.indirect.scatter.add.f32 [tilespmem:s9], [sflag:$0x3], $0x10, s5, s10, $0xb8;
	[tilespmem:$0xB090] =	vst v63  }
0xf9: {  	_ = 	snop  }
0xfa: {  	[spmem:s2] =	stream.indirect.scatter.add.f32 [tilespmem:s8], [sflag:$0x4], $0x80, s5, s10, $0xb8;
	[tilespmem:$0xB090] =	vst v63  }
0xfb: {  	_ =	swait.ge [sflag:s7], $0x3E80  }
0xfc: {  	[sflag:s7] =	ssyncset.done $0x0  }
0xfd: {  	s0 =	rddreg [dreg:$0xb];
	[sflag:s7] =	ssyncadd.s32 $0xFFFFC180  }
0xfe: {  	[tilespmem:s8], [sflag:$0x1] =	stream.linear.gather [hbm4b:s0+s5], $0x3E80, $0x38;
	[tilespmem:$0xB090] =	vst v63  }
0xff: {  	_ =	swait.ge [sflag:s15], $0x3E80  }
0x100: {  	[sflag:s15] =	ssyncset.done $0x0  }
0x101: {  	[sflag:s15] =	ssyncadd.s32 $0xFFFFC180  }
0x102: {  	[spmem:s1] =	stream.indirect.scatter.add.f32 [tilespmem:s9], [sflag:$0x3], $0x10, s17, s10, $0xb8;
	[tilespmem:$0xB090] =	vst v63  }
0x103: {  	_ = 	snop  }
0x104: {  	[spmem:s2] =	stream.indirect.scatter.add.f32 [tilespmem:s13], [sflag:$0x4], $0x80, s17, s10, $0xb8;
	[tilespmem:$0xB090] =	vst v63  }
0x105: {  	_ =	swait.ge [sflag:s7], $0x3E80  }
0x106: {  	[sflag:s7] =	ssyncset.done $0x0  }
0x107: {  	s0 =	rddreg [dreg:$0xc];
	[sflag:s7] =	ssyncadd.s32 $0xFFFFC180  }
0x108: {  	[tilespmem:s13], [sflag:$0x2] =	stream.linear.gather [hbm4b:s0+s5], $0x3E80, $0x38;
	[tilespmem:$0xB090] =	vst v63  }
0x109: {  	_ =	swait.ge [sflag:s11], $0x3E80  }
0x10a: {  	[sflag:s11] =	ssyncset.done $0x0  }
0x10b: {  	[sflag:s11] =	ssyncadd.s32 $0xFFFFC180  }
0x10c: {  	[spmem:s1] =	stream.indirect.scatter.add.f32 [tilespmem:s9], [sflag:$0x3], $0x10, s25, s10, $0xb8;
	[tilespmem:$0xB090] =	vst v63  }
0x10d: {  	_ = 	snop  }
0x10e: {  	[spmem:s2] =	stream.indirect.scatter.add.f32 [tilespmem:s8], [sflag:$0x4], $0x80, s25, s10, $0xb8;
	[tilespmem:$0xB090] =	vst v63  }
0x10f: {  	_ =	swait.ge [sflag:s7], $0x3E80  }
0x110: {  	[sflag:s7] =	ssyncset.done $0x0  }
0x111: {  	s0 =	rddreg [dreg:$0xd];
	[sflag:s7] =	ssyncadd.s32 $0xFFFFC180  }
0x112: {  	[tilespmem:s8], [sflag:$0x1] =	stream.linear.gather [hbm4b:s0+s5], $0x3E80, $0x38;
	[tilespmem:$0xB090] =	vst v63  }
0x113: {  	_ =	swait.ge [sflag:s15], $0x3E80  }
0x114: {  	[sflag:s15] =	ssyncset.done $0x0  }
0x115: {  	[sflag:s15] =	ssyncadd.s32 $0xFFFFC180  }
0x116: {  	[spmem:s1] =	stream.indirect.scatter.add.f32 [tilespmem:s9], [sflag:$0x3], $0x10, s24, s10, $0xb8;
	[tilespmem:$0xB090] =	vst v63  }
0x117: {  	_ = 	snop  }
0x118: {  	[spmem:s2] =	stream.indirect.scatter.add.f32 [tilespmem:s13], [sflag:$0x4], $0x80, s24, s10, $0xb8;
	[tilespmem:$0xB090] =	vst v63  }
0x119: {  	_ =	swait.ge [sflag:s7], $0x3E80  }
0x11a: {  	[sflag:s7] =	ssyncset.done $0x0  }
0x11b: {  	s0 =	rddreg [dreg:$0xe];
	[sflag:s7] =	ssyncadd.s32 $0xFFFFC180  }
0x11c: {  	[tilespmem:s13], [sflag:$0x2] =	stream.linear.gather [hbm4b:s0+s5], $0x3E80, $0x38;
	[tilespmem:$0xB090] =	vst v63  }
0x11d: {  	_ =	swait.ge [sflag:s11], $0x3E80  }
0x11e: {  	[sflag:s11] =	ssyncset.done $0x0  }
0x11f: {  	[sflag:s11] =	ssyncadd.s32 $0xFFFFC180  }
0x120: {  	[spmem:s1] =	stream.indirect.scatter.add.f32 [tilespmem:s9], [sflag:$0x3], $0x10, s23, s10, $0xb8;
	[tilespmem:$0xB090] =	vst v63  }
0x121: {  	_ = 	snop  }
0x122: {  	[spmem:s2] =	stream.indirect.scatter.add.f32 [tilespmem:s8], [sflag:$0x4], $0x80, s23, s10, $0xb8;
	[tilespmem:$0xB090] =	vst v63  }
0x123: {  	_ =	swait.ge [sflag:s7], $0x3E80  }
0x124: {  	[sflag:s7] =	ssyncset.done $0x0  }
0x125: {  	s0 =	rddreg [dreg:$0xf];
	[sflag:s7] =	ssyncadd.s32 $0xFFFFC180  }
0x126: {  	[tilespmem:s8], [sflag:$0x1] =	stream.linear.gather [hbm4b:s0+s5], $0x3E80, $0x38;
	[tilespmem:$0xB090] =	vst v63  }
0x127: {  	_ =	swait.ge [sflag:s15], $0x3E80  }
0x128: {  	[sflag:s15] =	ssyncset.done $0x0  }
0x129: {  	[sflag:s15] =	ssyncadd.s32 $0xFFFFC180  }
0x12a: {  	[spmem:s1] =	stream.indirect.scatter.add.f32 [tilespmem:s9], [sflag:$0x3], $0x10, s22, s10, $0xb8;
	[tilespmem:$0xB090] =	vst v63  }
0x12b: {  	_ = 	snop  }
0x12c: {  	[spmem:s2] =	stream.indirect.scatter.add.f32 [tilespmem:s13], [sflag:$0x4], $0x80, s22, s10, $0xb8;
	[tilespmem:$0xB090] =	vst v63  }
0x12d: {  	_ =	swait.ge [sflag:s7], $0x3E80  }
0x12e: {  	[sflag:s7] =	ssyncset.done $0x0  }
0x12f: {  	s0 =	rddreg [dreg:$0x10];
	[sflag:s7] =	ssyncadd.s32 $0xFFFFC180  }
0x130: {  	[tilespmem:s13], [sflag:$0x2] =	stream.linear.gather [hbm4b:s0+s5], $0x3E80, $0x38;
	[tilespmem:$0xB090] =	vst v63  }
0x131: {  	_ =	swait.ge [sflag:s11], $0x3E80  }
0x132: {  	[sflag:s11] =	ssyncset.done $0x0  }
0x133: {  	[sflag:s11] =	ssyncadd.s32 $0xFFFFC180  }
0x134: {  	[spmem:s1] =	stream.indirect.scatter.add.f32 [tilespmem:s9], [sflag:$0x3], $0x10, s21, s10, $0xb8;
	[tilespmem:$0xB090] =	vst v63  }
0x135: {  	_ = 	snop  }
0x136: {  	[spmem:s2] =	stream.indirect.scatter.add.f32 [tilespmem:s8], [sflag:$0x4], $0x80, s21, s10, $0xb8;
	[tilespmem:$0xB090] =	vst v63  }
0x137: {  	_ =	swait.ge [sflag:s7], $0x3E80  }
0x138: {  	[sflag:s7] =	ssyncset.done $0x0  }
0x139: {  	s0 =	rddreg [dreg:$0x11];
	[sflag:s7] =	ssyncadd.s32 $0xFFFFC180  }
0x13a: {  	[tilespmem:s8], [sflag:$0x1] =	stream.linear.gather [hbm4b:s0+s5], $0x3E80, $0x38;
	[tilespmem:$0xB090] =	vst v63  }
0x13b: {  	_ =	swait.ge [sflag:s15], $0x3E80  }
0x13c: {  	[sflag:s15] =	ssyncset.done $0x0  }
0x13d: {  	[sflag:s15] =	ssyncadd.s32 $0xFFFFC180  }
0x13e: {  	[spmem:s1] =	stream.indirect.scatter.add.f32 [tilespmem:s9], [sflag:$0x3], $0x10, s20, s10, $0xb8;
	[tilespmem:$0xB090] =	vst v63  }
0x13f: {  	_ = 	snop  }
0x140: {  	[spmem:s2] =	stream.indirect.scatter.add.f32 [tilespmem:s13], [sflag:$0x4], $0x80, s20, s10, $0xb8;
	[tilespmem:$0xB090] =	vst v63  }
0x141: {  	_ =	swait.ge [sflag:s7], $0x3E80  }
0x142: {  	[sflag:s7] =	ssyncset.done $0x0  }
0x143: {  	[sflag:s7] =	ssyncadd.s32 $0xFFFFC180  }
0x144: {  	[tilespmem:s13], [sflag:$0x2] =	stream.linear.gather [hbm4b:s16+s5], $0x3E80, $0x38;
	[tilespmem:$0xB090] =	vst v63  }
0x145: {  	_ =	swait.ge [sflag:s11], $0x3E80  }
0x146: {  	[sflag:s11] =	ssyncset.done $0x0  }
0x147: {  	[sflag:s11] =	ssyncadd.s32 $0xFFFFC180  }
0x148: {  	[spmem:s1] =	stream.indirect.scatter.add.f32 [tilespmem:s9], [sflag:$0x3], $0x10, s19, s10, $0xb8;
	[tilespmem:$0xB090] =	vst v63  }
0x149: {  	_ = 	snop  }
0x14a: {  	[spmem:s2] =	stream.indirect.scatter.add.f32 [tilespmem:s8], [sflag:$0x4], $0x80, s19, s10, $0xb8;
	[tilespmem:$0xB090] =	vst v63  }
0x14b: {  	_ =	swait.ge [sflag:s7], $0x3E80  }
0x14c: {  	[sflag:s7] =	ssyncset.done $0x0  }
0x14d: {  	[sflag:s7] =	ssyncadd.s32 $0xFFFFC180  }
0x14e: {  	[tilespmem:s8], [sflag:$0x1] =	stream.linear.gather [hbm4b:s14+s5], $0x3E80, $0x38;
	[tilespmem:$0xB090] =	vst v63  }
0x14f: {  	_ =	swait.ge [sflag:s15], $0x3E80  }
0x150: {  	[sflag:s15] =	ssyncset.done $0x0  }
0x151: {  	[sflag:s15] =	ssyncadd.s32 $0xFFFFC180  }
0x152: {  	[spmem:s1] =	stream.indirect.scatter.add.f32 [tilespmem:s9], [sflag:$0x3], $0x10, s18, s10, $0xb8;
	[tilespmem:$0xB090] =	vst v63  }
0x153: {  	_ = 	snop  }
0x154: {  	[spmem:s2] =	stream.indirect.scatter.add.f32 [tilespmem:s13], [sflag:$0x4], $0x80, s18, s10, $0xb8;
	[tilespmem:$0xB090] =	vst v63  }
0x155: {  	_ =	swait.ge [sflag:s7], $0x3E80  }
0x156: {  	[sflag:s7] =	ssyncset.done $0x0  }
0x157: {  	[sflag:s7] =	ssyncadd.s32 $0xFFFFC180  }
0x158: {  	_ =	swait.ge [sflag:s11], $0x3E80  }
0x159: {  	[sflag:s11] =	ssyncset.done $0x0  }
0x15a: {  	s0 =	simm.s32 $0x500;
	[sflag:s11] =	ssyncadd.s32 $0xFFFFC180  }
0x15b: {  	[spmem:s1] =	stream.indirect.scatter.add.f32 [tilespmem:s9], [sflag:$0x3], $0x10, s0, s10, $0xb8;
	[tilespmem:$0xB090] =	vst v63  }
0x15c: {  	_ = 	snop  }
0x15d: {  	[spmem:s2] =	stream.indirect.scatter.add.f32 [tilespmem:s8], [sflag:$0x4], $0x80, s0, s10, $0xb8;
	[tilespmem:$0xB090] =	vst v63  }
0x15e: {  	_ =	swait.ge [sflag:s7], $0x3E80  }
0x15f: {  	[sflag:s7] =	ssyncset.done $0x0  }
0x160: {  	[sflag:s7] =	ssyncadd.s32 $0xFFFFC180  }
0x161: {  	_ =	swait.ge [sflag:s6], $0x7D0  }
0x162: {  	[sflag:s6] =	ssyncset.done $0x0  }
0x163: {  	[sflag:s6] =	ssyncadd.s32 $0xFFFFF830  }
0x164: {  	_ =	swait.ge [sflag:s6], $0x7D0  }
0x165: {  	[sflag:s6] =	ssyncset.done $0x0  }
0x166: {  	[sflag:s6] =	ssyncadd.s32 $0xFFFFF830  }
0x167: {  	_ =	swait.ge [sflag:s6], $0x7D0  }
0x168: {  	[sflag:s6] =	ssyncset.done $0x0  }
0x169: {  	[sflag:s6] =	ssyncadd.s32 $0xFFFFF830  }
0x16a: {  	_ =	swait.ge [sflag:s6], $0x7D0  }
0x16b: {  	[sflag:s6] =	ssyncset.done $0x0  }
0x16c: {  	[sflag:s6] =	ssyncadd.s32 $0xFFFFF830  }
0x16d: {  	_ =	swait.ge [sflag:s6], $0x7D0  }
0x16e: {  	[sflag:s6] =	ssyncset.done $0x0  }
0x16f: {  	[sflag:s6] =	ssyncadd.s32 $0xFFFFF830  }
0x170: {  	_ =	swait.ge [sflag:s6], $0x7D0  }
0x171: {  	[sflag:s6] =	ssyncset.done $0x0  }
0x172: {  	[sflag:s6] =	ssyncadd.s32 $0xFFFFF830  }
0x173: {  	_ =	swait.ge [sflag:s6], $0x7D0  }
0x174: {  	[sflag:s6] =	ssyncset.done $0x0  }
0x175: {  	[sflag:s6] =	ssyncadd.s32 $0xFFFFF830  }
0x176: {  	_ =	swait.ge [sflag:s6], $0x7D0  }
0x177: {  	[sflag:s6] =	ssyncset.done $0x0  }
0x178: {  	[sflag:s6] =	ssyncadd.s32 $0xFFFFF830  }
0x179: {  	_ =	swait.ge [sflag:s6], $0x7D0  }
0x17a: {  	[sflag:s6] =	ssyncset.done $0x0  }
0x17b: {  	[sflag:s6] =	ssyncadd.s32 $0xFFFFF830  }
0x17c: {  	_ =	swait.ge [sflag:s6], $0x7D0  }
0x17d: {  	[sflag:s6] =	ssyncset.done $0x0  }
0x17e: {  	[sflag:s6] =	ssyncadd.s32 $0xFFFFF830  }
0x17f: {  	_ =	swait.ge [sflag:s6], $0x7D0  }
0x180: {  	[sflag:s6] =	ssyncset.done $0x0  }
0x181: {  	[sflag:s6] =	ssyncadd.s32 $0xFFFFF830  }
0x182: {  	[bflag:$0x0] =	sbarrier.arrive $0xFFFF  }
0x183: {  	[tilespmem:s29], [sflag:$0x4] =	stream.linear.gather @!p0 [spmem:s2], $0x2000, $0x38;
	[tilespmem:$0xB090] =	vst v63  }
0x184: {  	_ =	swait.ge @!p0 [sflag:s26], $0x2000  }
0x185: {  	[sflag:s26] =	ssyncset.done @!p0 $0x0  }
0x186: {  	[sflag:s26] =	ssyncadd.s32 @!p0 $0xFFFFE000  }
0x187: {  	[hbm4b:s12+s28] =	stream.linear.scatter @!p0 [tilespmem:s29], [sflag:$0x4], $0x2000, $0x38;
	[tilespmem:$0xB090] =	vst v63  }
0x188: {  	_ =	swait.ge @!p0 [sflag:s26], $0x2000  }
0x189: {  	[sflag:s26] =	ssyncset.done @!p0 $0x0  }
0x18a: {  	s31 =	sadd.s32 $0xFFFFFFFF, s31;
	[sflag:s26] =	ssyncadd.s32 @!p0 $0xFFFFE000  }
0x18b: {  	[tilespmem:s30], [sflag:$0x4] =	stream.linear.gather @!p0 [spmem:s1], $0x400, $0x38;
	[tilespmem:$0xB090] =	vst v63  }
0x18c: {  	p2 =	sne.s32 s31, $0x0;
	_ =	swait.ge @!p0 [sflag:s26], $0x400  }
.Ltmp2:
0x18d: {  	[sflag:s26] =	ssyncset.done @!p0 $0x0;
	(pc) =	sbr.rel @p2 .LBB2_4-.Ltmp2, $4  }
0x18e: {  	[sflag:s26] =	ssyncadd.s32 @!p0 $0xFFFFFC00  }
0x18f: {  	[hbm4b:s4+s28] =	stream.linear.scatter @!p0 [tilespmem:s30], [sflag:$0x4], $0x400, $0x38;
	[tilespmem:$0xB090] =	vst v63  }
0x190: {  	_ =	swait.ge @!p0 [sflag:s26], $0x400  }
0x191: {  	s3 =	smov.u32 s4;
	s0 =	rddreg [dreg:$0x8];
	[sflag:s26] =	ssyncset.done @!p0 $0x0  }
0x192: {  	s17 =	simm.s32 $0x480;
	s18 =	simm.s32 $0x400;
	s19 =	simm.s32 $0x380  }
0x193: {  	s20 =	simm.s32 $0x300;
	s21 =	simm.s32 $0x280;
	s22 =	simm.s32 $0x200  }
0x194: {  	s23 =	simm.s32 $0x180;
	s24 =	simm.s32 $0x100;
	s25 =	simm.s32 $0x80  }
.LBB2_6:
0x195: {  	p1 =	por p0, !p1  }
0x196: {  	[sflag:s26] =	ssyncadd.s32 @!p1 $0xFFFFFC00  }
0x197: {  	[tilespmem:s8], [sflag:$0x1] =	stream.linear.gather [hbm4b:s0+s5], $0x3E80, $0x38;
	[tilespmem:$0xB090] =	vst v63  }
0x198: {  	s3 =	rddreg [dreg:$0x9]  }
0x199: {  	[tilespmem:s5], [sflag:$0x4] =	stream.linear.gather [hbm4b:s3+s5], $0x580, $0x38;
	[tilespmem:$0xB090] =	vst v63  }
0x19a: {  	_ =	swait.ge [sflag:s7], $0x580  }
0x19b: {  	[sflag:s7] =	ssyncset.done $0x0  }
0x19c: {  	s30 =	rddreg [dreg:$0x7];
	[sflag:s7] =	ssyncadd.s32 $0xFFFFFA80  }
0x19d: {  	[tilespmem:s9], [sflag:$0x4] =	stream.linear.gather [hbm4b:s30+s5], $0x7D0, $0x38;
	[tilespmem:$0xB090] =	vst v63  }
0x19e: {  	_ =	swait.ge [sflag:s7], $0x7D0  }
0x19f: {  	s28 =	simm.s32 @!p0 $0x0;
	s29 =	simm.s32 @!p0 $0x8A50;
	[sflag:s7] =	ssyncset.done $0x0  }
0x1a0: {  	s26 =	simm.s32 @!p0 $0x4;
	s0 =	rddreg [dreg:$0x5];
	[sflag:s7] =	ssyncadd.s32 $0xFFFFF830  }
0x1a1: {  	[tilespmem:s29], [sflag:$0x4] =	stream.linear.gather @!p0 [hbm4b:s0+s28], $0x2000, $0x38;
	[tilespmem:$0xB090] =	vst v63  }
0x1a2: {  	_ =	swait.ge @!p0 [sflag:s26], $0x2000  }
0x1a3: {  	[sflag:s26] =	ssyncset.done @!p0 $0x0  }
0x1a4: {  	[sflag:s26] =	ssyncadd.s32 @!p0 $0xFFFFE000  }
0x1a5: {  	[spmem:s2] =	stream.linear.scatter @!p0 [tilespmem:s29], [sflag:$0x4], $0x2000, $0x38;
	[tilespmem:$0xB090] =	vst v63  }
0x1a6: {  	_ =	swait.ge @!p0 [sflag:s26], $0x2000  }
0x1a7: {  	[sflag:s26] =	ssyncset.done @!p0 $0x0  }
0x1a8: {  	s30 =	simm.s32 @!p0 $0xAA50;
	s0 =	rddreg [dreg:$0x6];
	[sflag:s26] =	ssyncadd.s32 @!p0 $0xFFFFE000  }
0x1a9: {  	[tilespmem:s30], [sflag:$0x4] =	stream.linear.gather @!p0 [hbm4b:s0+s28], $0x400, $0x38;
	[tilespmem:$0xB090] =	vst v63  }
0x1aa: {  	_ =	swait.ge @!p0 [sflag:s26], $0x400  }
0x1ab: {  	[sflag:s26] =	ssyncset.done @!p0 $0x0  }
0x1ac: {  	[sflag:s26] =	ssyncadd.s32 @!p0 $0xFFFFFC00  }
0x1ad: {  	[spmem:s1] =	stream.linear.scatter @!p0 [tilespmem:s30], [sflag:$0x4], $0x400, $0x38;
	[tilespmem:$0xB090] =	vst v63  }
0x1ae: {  	_ =	swait.ge @!p0 [sflag:s26], $0x400  }
0x1af: {  	[sflag:s26] =	ssyncset.done @!p0 $0x0  }
0x1b0: {  	[sflag:s26] =	ssyncadd.s32 @!p0 $0xFFFFFC00  }
0x1b1: {  	[bflag:$0x0] =	sbarrier.arrive $0xFFFF  }
0x1b2: {  	s31 =	rddreg [dreg:$0xa]  }
0x1b3: {  	[tilespmem:s13], [sflag:$0x2] =	stream.linear.gather [hbm4b:s31+s5], $0x3E80, $0x38;
	[tilespmem:$0xB090] =	vst v63  }
0x1b4: {  	_ =	swait.ge [sflag:s11], $0x3E80  }
0x1b5: {  	[sflag:s11] =	ssyncset.done $0x0  }
0x1b6: {  	[sflag:s11] =	ssyncadd.s32 $0xFFFFC180  }
0x1b7: {  	[spmem:s1] =	stream.indirect.scatter.add.f32 [tilespmem:s9], [sflag:$0x3], $0x10, s5, s10, $0xb8;
	[tilespmem:$0xB090] =	vst v63  }
0x1b8: {  	_ = 	snop  }
0x1b9: {  	[spmem:s2] =	stream.indirect.scatter.add.f32 [tilespmem:s8], [sflag:$0x4], $0x80, s5, s10, $0xb8;
	[tilespmem:$0xB090] =	vst v63  }
0x1ba: {  	_ =	swait.ge [sflag:s7], $0x3E80  }
0x1bb: {  	[sflag:s7] =	ssyncset.done $0x0  }
0x1bc: {  	s3 =	rddreg [dreg:$0xb];
	[sflag:s7] =	ssyncadd.s32 $0xFFFFC180  }
0x1bd: {  	[tilespmem:s8], [sflag:$0x1] =	stream.linear.gather [hbm4b:s3+s5], $0x3E80, $0x38;
	[tilespmem:$0xB090] =	vst v63  }
0x1be: {  	_ =	swait.ge [sflag:s15], $0x3E80  }
0x1bf: {  	[sflag:s15] =	ssyncset.done $0x0  }
0x1c0: {  	[sflag:s15] =	ssyncadd.s32 $0xFFFFC180  }
0x1c1: {  	[spmem:s1] =	stream.indirect.scatter.add.f32 [tilespmem:s9], [sflag:$0x3], $0x10, s25, s10, $0xb8;
	[tilespmem:$0xB090] =	vst v63  }
0x1c2: {  	_ = 	snop  }
0x1c3: {  	[spmem:s2] =	stream.indirect.scatter.add.f32 [tilespmem:s13], [sflag:$0x4], $0x80, s25, s10, $0xb8;
	[tilespmem:$0xB090] =	vst v63  }
0x1c4: {  	_ =	swait.ge [sflag:s7], $0x3E80  }
0x1c5: {  	[sflag:s7] =	ssyncset.done $0x0  }
0x1c6: {  	s25 =	rddreg [dreg:$0xc];
	[sflag:s7] =	ssyncadd.s32 $0xFFFFC180  }
0x1c7: {  	[tilespmem:s13], [sflag:$0x2] =	stream.linear.gather [hbm4b:s25+s5], $0x3E80, $0x38;
	[tilespmem:$0xB090] =	vst v63  }
0x1c8: {  	_ =	swait.ge [sflag:s11], $0x3E80  }
0x1c9: {  	[sflag:s11] =	ssyncset.done $0x0  }
0x1ca: {  	[sflag:s11] =	ssyncadd.s32 $0xFFFFC180  }
0x1cb: {  	[spmem:s1] =	stream.indirect.scatter.add.f32 [tilespmem:s9], [sflag:$0x3], $0x10, s24, s10, $0xb8;
	[tilespmem:$0xB090] =	vst v63  }
0x1cc: {  	_ = 	snop  }
0x1cd: {  	[spmem:s2] =	stream.indirect.scatter.add.f32 [tilespmem:s8], [sflag:$0x4], $0x80, s24, s10, $0xb8;
	[tilespmem:$0xB090] =	vst v63  }
0x1ce: {  	_ =	swait.ge [sflag:s7], $0x3E80  }
0x1cf: {  	[sflag:s7] =	ssyncset.done $0x0  }
0x1d0: {  	s31 =	rddreg [dreg:$0xd];
	[sflag:s7] =	ssyncadd.s32 $0xFFFFC180  }
0x1d1: {  	[tilespmem:s8], [sflag:$0x1] =	stream.linear.gather [hbm4b:s31+s5], $0x3E80, $0x38;
	[tilespmem:$0xB090] =	vst v63  }
0x1d2: {  	_ =	swait.ge [sflag:s15], $0x3E80  }
0x1d3: {  	[sflag:s15] =	ssyncset.done $0x0  }
0x1d4: {  	[sflag:s15] =	ssyncadd.s32 $0xFFFFC180  }
0x1d5: {  	[spmem:s1] =	stream.indirect.scatter.add.f32 [tilespmem:s9], [sflag:$0x3], $0x10, s23, s10, $0xb8;
	[tilespmem:$0xB090] =	vst v63  }
0x1d6: {  	_ = 	snop  }
0x1d7: {  	[spmem:s2] =	stream.indirect.scatter.add.f32 [tilespmem:s13], [sflag:$0x4], $0x80, s23, s10, $0xb8;
	[tilespmem:$0xB090] =	vst v63  }
0x1d8: {  	_ =	swait.ge [sflag:s7], $0x3E80  }
0x1d9: {  	[sflag:s7] =	ssyncset.done $0x0  }
0x1da: {  	s3 =	rddreg [dreg:$0xe];
	[sflag:s7] =	ssyncadd.s32 $0xFFFFC180  }
0x1db: {  	[tilespmem:s13], [sflag:$0x2] =	stream.linear.gather [hbm4b:s3+s5], $0x3E80, $0x38;
	[tilespmem:$0xB090] =	vst v63  }
0x1dc: {  	_ =	swait.ge [sflag:s11], $0x3E80  }
0x1dd: {  	[sflag:s11] =	ssyncset.done $0x0  }
0x1de: {  	[sflag:s11] =	ssyncadd.s32 $0xFFFFC180  }
0x1df: {  	[spmem:s1] =	stream.indirect.scatter.add.f32 [tilespmem:s9], [sflag:$0x3], $0x10, s22, s10, $0xb8;
	[tilespmem:$0xB090] =	vst v63  }
0x1e0: {  	_ = 	snop  }
0x1e1: {  	[spmem:s2] =	stream.indirect.scatter.add.f32 [tilespmem:s8], [sflag:$0x4], $0x80, s22, s10, $0xb8;
	[tilespmem:$0xB090] =	vst v63  }
0x1e2: {  	_ =	swait.ge [sflag:s7], $0x3E80  }
0x1e3: {  	[sflag:s7] =	ssyncset.done $0x0  }
0x1e4: {  	s23 =	rddreg [dreg:$0xf];
	[sflag:s7] =	ssyncadd.s32 $0xFFFFC180  }
0x1e5: {  	[tilespmem:s8], [sflag:$0x1] =	stream.linear.gather [hbm4b:s23+s5], $0x3E80, $0x38;
	[tilespmem:$0xB090] =	vst v63  }
0x1e6: {  	_ =	swait.ge [sflag:s15], $0x3E80  }
0x1e7: {  	[sflag:s15] =	ssyncset.done $0x0  }
0x1e8: {  	[sflag:s15] =	ssyncadd.s32 $0xFFFFC180  }
0x1e9: {  	[spmem:s1] =	stream.indirect.scatter.add.f32 [tilespmem:s9], [sflag:$0x3], $0x10, s21, s10, $0xb8;
	[tilespmem:$0xB090] =	vst v63  }
0x1ea: {  	_ = 	snop  }
0x1eb: {  	[spmem:s2] =	stream.indirect.scatter.add.f32 [tilespmem:s13], [sflag:$0x4], $0x80, s21, s10, $0xb8;
	[tilespmem:$0xB090] =	vst v63  }
0x1ec: {  	_ =	swait.ge [sflag:s7], $0x3E80  }
0x1ed: {  	[sflag:s7] =	ssyncset.done $0x0  }
0x1ee: {  	s24 =	rddreg [dreg:$0x10];
	[sflag:s7] =	ssyncadd.s32 $0xFFFFC180  }
0x1ef: {  	[tilespmem:s13], [sflag:$0x2] =	stream.linear.gather [hbm4b:s24+s5], $0x3E80, $0x38;
	[tilespmem:$0xB090] =	vst v63  }
0x1f0: {  	_ =	swait.ge [sflag:s11], $0x3E80  }
0x1f1: {  	[sflag:s11] =	ssyncset.done $0x0  }
0x1f2: {  	[sflag:s11] =	ssyncadd.s32 $0xFFFFC180  }
0x1f3: {  	[spmem:s1] =	stream.indirect.scatter.add.f32 [tilespmem:s9], [sflag:$0x3], $0x10, s20, s10, $0xb8;
	[tilespmem:$0xB090] =	vst v63  }
0x1f4: {  	_ = 	snop  }
0x1f5: {  	[spmem:s2] =	stream.indirect.scatter.add.f32 [tilespmem:s8], [sflag:$0x4], $0x80, s20, s10, $0xb8;
	[tilespmem:$0xB090] =	vst v63  }
0x1f6: {  	_ =	swait.ge [sflag:s7], $0x3E80  }
0x1f7: {  	[sflag:s7] =	ssyncset.done $0x0  }
0x1f8: {  	s25 =	rddreg [dreg:$0x11];
	[sflag:s7] =	ssyncadd.s32 $0xFFFFC180  }
0x1f9: {  	[tilespmem:s8], [sflag:$0x1] =	stream.linear.gather [hbm4b:s25+s5], $0x3E80, $0x38;
	[tilespmem:$0xB090] =	vst v63  }
0x1fa: {  	_ =	swait.ge [sflag:s15], $0x3E80  }
0x1fb: {  	[sflag:s15] =	ssyncset.done $0x0  }
0x1fc: {  	[sflag:s15] =	ssyncadd.s32 $0xFFFFC180  }
0x1fd: {  	[spmem:s1] =	stream.indirect.scatter.add.f32 [tilespmem:s9], [sflag:$0x3], $0x10, s19, s10, $0xb8;
	[tilespmem:$0xB090] =	vst v63  }
0x1fe: {  	_ = 	snop  }
0x1ff: {  	[spmem:s2] =	stream.indirect.scatter.add.f32 [tilespmem:s13], [sflag:$0x4], $0x80, s19, s10, $0xb8;
	[tilespmem:$0xB090] =	vst v63  }
0x200: {  	_ =	swait.ge [sflag:s7], $0x3E80  }
0x201: {  	[sflag:s7] =	ssyncset.done $0x0  }
0x202: {  	[sflag:s7] =	ssyncadd.s32 $0xFFFFC180  }
0x203: {  	[tilespmem:s13], [sflag:$0x2] =	stream.linear.gather [hbm4b:s16+s5], $0x3E80, $0x38;
	[tilespmem:$0xB090] =	vst v63  }
0x204: {  	_ =	swait.ge [sflag:s11], $0x3E80  }
0x205: {  	[sflag:s11] =	ssyncset.done $0x0  }
0x206: {  	[sflag:s11] =	ssyncadd.s32 $0xFFFFC180  }
0x207: {  	[spmem:s1] =	stream.indirect.scatter.add.f32 [tilespmem:s9], [sflag:$0x3], $0x10, s18, s10, $0xb8;
	[tilespmem:$0xB090] =	vst v63  }
0x208: {  	_ = 	snop  }
0x209: {  	[spmem:s2] =	stream.indirect.scatter.add.f32 [tilespmem:s8], [sflag:$0x4], $0x80, s18, s10, $0xb8;
	[tilespmem:$0xB090] =	vst v63  }
0x20a: {  	_ =	swait.ge [sflag:s7], $0x3E80  }
0x20b: {  	[sflag:s7] =	ssyncset.done $0x0  }
0x20c: {  	[sflag:s7] =	ssyncadd.s32 $0xFFFFC180  }
0x20d: {  	[tilespmem:s8], [sflag:$0x1] =	stream.linear.gather [hbm4b:s14+s5], $0x3E80, $0x38;
	[tilespmem:$0xB090] =	vst v63  }
0x20e: {  	_ =	swait.ge [sflag:s15], $0x3E80  }
0x20f: {  	[sflag:s15] =	ssyncset.done $0x0  }
0x210: {  	[sflag:s15] =	ssyncadd.s32 $0xFFFFC180  }
0x211: {  	[spmem:s1] =	stream.indirect.scatter.add.f32 [tilespmem:s9], [sflag:$0x3], $0x10, s17, s10, $0xb8;
	[tilespmem:$0xB090] =	vst v63  }
0x212: {  	_ = 	snop  }
0x213: {  	[spmem:s2] =	stream.indirect.scatter.add.f32 [tilespmem:s13], [sflag:$0x4], $0x80, s17, s10, $0xb8;
	[tilespmem:$0xB090] =	vst v63  }
0x214: {  	_ =	swait.ge [sflag:s7], $0x3E80  }
0x215: {  	[sflag:s7] =	ssyncset.done $0x0  }
0x216: {  	[sflag:s7] =	ssyncadd.s32 $0xFFFFC180  }
0x217: {  	_ =	swait.ge [sflag:s11], $0x3E80  }
0x218: {  	[sflag:s11] =	ssyncset.done $0x0  }
0x219: {  	s31 =	simm.s32 $0x500;
	[sflag:s11] =	ssyncadd.s32 $0xFFFFC180  }
0x21a: {  	[spmem:s1] =	stream.indirect.scatter.add.f32 [tilespmem:s9], [sflag:$0x3], $0x10, s31, s10, $0xb8;
	[tilespmem:$0xB090] =	vst v63  }
0x21b: {  	_ = 	snop  }
0x21c: {  	[spmem:s2] =	stream.indirect.scatter.add.f32 [tilespmem:s8], [sflag:$0x4], $0x80, s31, s10, $0xb8;
	[tilespmem:$0xB090] =	vst v63  }
0x21d: {  	_ =	swait.ge [sflag:s7], $0x3E80  }
0x21e: {  	[sflag:s7] =	ssyncset.done $0x0  }
0x21f: {  	[sflag:s7] =	ssyncadd.s32 $0xFFFFC180  }
0x220: {  	_ =	swait.ge [sflag:s6], $0x7D0  }
0x221: {  	[sflag:s6] =	ssyncset.done $0x0  }
0x222: {  	[sflag:s6] =	ssyncadd.s32 $0xFFFFF830  }
0x223: {  	_ =	swait.ge [sflag:s6], $0x7D0  }
0x224: {  	[sflag:s6] =	ssyncset.done $0x0  }
0x225: {  	[sflag:s6] =	ssyncadd.s32 $0xFFFFF830  }
0x226: {  	_ =	swait.ge [sflag:s6], $0x7D0  }
0x227: {  	[sflag:s6] =	ssyncset.done $0x0  }
0x228: {  	[sflag:s6] =	ssyncadd.s32 $0xFFFFF830  }
0x229: {  	_ =	swait.ge [sflag:s6], $0x7D0  }
0x22a: {  	[sflag:s6] =	ssyncset.done $0x0  }
0x22b: {  	[sflag:s6] =	ssyncadd.s32 $0xFFFFF830  }
0x22c: {  	_ =	swait.ge [sflag:s6], $0x7D0  }
0x22d: {  	[sflag:s6] =	ssyncset.done $0x0  }
0x22e: {  	[sflag:s6] =	ssyncadd.s32 $0xFFFFF830  }
0x22f: {  	_ =	swait.ge [sflag:s6], $0x7D0  }
0x230: {  	[sflag:s6] =	ssyncset.done $0x0  }
0x231: {  	[sflag:s6] =	ssyncadd.s32 $0xFFFFF830  }
0x232: {  	_ =	swait.ge [sflag:s6], $0x7D0  }
0x233: {  	[sflag:s6] =	ssyncset.done $0x0  }
0x234: {  	[sflag:s6] =	ssyncadd.s32 $0xFFFFF830  }
0x235: {  	_ =	swait.ge [sflag:s6], $0x7D0  }
0x236: {  	[sflag:s6] =	ssyncset.done $0x0  }
0x237: {  	[sflag:s6] =	ssyncadd.s32 $0xFFFFF830  }
0x238: {  	_ =	swait.ge [sflag:s6], $0x7D0  }
0x239: {  	[sflag:s6] =	ssyncset.done $0x0  }
0x23a: {  	[sflag:s6] =	ssyncadd.s32 $0xFFFFF830  }
0x23b: {  	_ =	swait.ge [sflag:s6], $0x7D0  }
0x23c: {  	[sflag:s6] =	ssyncset.done $0x0  }
0x23d: {  	[sflag:s6] =	ssyncadd.s32 $0xFFFFF830  }
0x23e: {  	_ =	swait.ge [sflag:s6], $0x7D0  }
0x23f: {  	[sflag:s6] =	ssyncset.done $0x0  }
0x240: {  	[sflag:s6] =	ssyncadd.s32 $0xFFFFF830  }
0x241: {  	[bflag:$0x0] =	sbarrier.arrive $0xFFFF  }
0x242: {  	[tilespmem:s29], [sflag:$0x4] =	stream.linear.gather @!p0 [spmem:s2], $0x2000, $0x38;
	[tilespmem:$0xB090] =	vst v63  }
0x243: {  	_ =	swait.ge @!p0 [sflag:s26], $0x2000  }
0x244: {  	[sflag:s26] =	ssyncset.done @!p0 $0x0  }
0x245: {  	[sflag:s26] =	ssyncadd.s32 @!p0 $0xFFFFE000  }
0x246: {  	[hbm4b:s12+s28] =	stream.linear.scatter @!p0 [tilespmem:s29], [sflag:$0x4], $0x2000, $0x38;
	[tilespmem:$0xB090] =	vst v63  }
0x247: {  	_ =	swait.ge @!p0 [sflag:s26], $0x2000  }
0x248: {  	[sflag:s26] =	ssyncset.done @!p0 $0x0  }
0x249: {  	[sflag:s26] =	ssyncadd.s32 @!p0 $0xFFFFE000  }
0x24a: {  	[tilespmem:s30], [sflag:$0x4] =	stream.linear.gather @!p0 [spmem:s1], $0x400, $0x38;
	[tilespmem:$0xB090] =	vst v63  }
0x24b: {  	_ =	swait.ge @!p0 [sflag:s26], $0x400  }
0x24c: {  	[sflag:s26] =	ssyncset.done @!p0 $0x0  }
0x24d: {  	[sflag:s26] =	ssyncadd.s32 @!p0 $0xFFFFFC00  }
0x24e: {  	[hbm4b:s4+s28] =	stream.linear.scatter @!p0 [tilespmem:s30], [sflag:$0x4], $0x400, $0x38;
	[tilespmem:$0xB090] =	vst v63  }
0x24f: {  	_ =	swait.ge @!p0 [sflag:s26], $0x400  }
0x250: {  	[sflag:s26] =	ssyncset.done @!p0 $0x0  }
0x251: {  	[sflag:s26] =	ssyncadd.s32 @!p0 $0xFFFFFC00  }
0x252: {  	_ =	sfence.sel $0x180000  }
0x253: {  	[bflag:$0x0] =	sbarrier.arrive $0xFFFF  }
0x254: {  	_ =	strace $0x90000047  }
0x255: {  	[bflag:$0x2] =	sbarrier.arrive $0xFFFF  }
0x256: {  	s0 =	rddreg [dreg:$0x4]  }
0x257: {  	s0 =	sadd.s32 @!p0 $0x100000, s0  }
0x258: {  	[sflag:s0] =	ssyncadd.tile.s32 @!p0 $0x1;
	_ =	shalt  }
.LBB2_1:
.Ltmp3:
0x259: {  	(pc) =	sbr.rel .LBB2_6-.Ltmp3, $2  }
0x25a: {  	_ =	sdelay $0x2  }
0x25b: {  	s4 =	smov.u32 s3  }
.LBB2_3:
.Ltmp4:
0x25c: {  	(pc) =	sbr.rel .LBB2_6-.Ltmp4, $4  }
0x25d: {  	s4 =	smov.u32 s3  }
0x25e: {  	s17 =	simm.s32 $0x480;
	s18 =	simm.s32 $0x400;
	s19 =	simm.s32 $0x380  }
0x25f: {  	s20 =	simm.s32 $0x300;
	s21 =	simm.s32 $0x280;
	s22 =	simm.s32 $0x200  }
0x260: {  	s23 =	simm.s32 $0x180;
	s24 =	simm.s32 $0x100;
	s25 =	simm.s32 $0x80  }
.Lfunc_end2:
_tile_overlayer_lowered:
.L_overlay_start_2:
0x261: {  	(tag) =	ssettag $0x2  }
0x262: {  	s0 =	rddreg [dreg:$0x0];
	s2 =	stileid.u32  }
0x263: {  	s1 =	rddreg [dreg:$0x1];
	p0 =	sne.s32 s2, $0x0  }
0x264: {  	s3 =	rddreg [dreg:$0x2];
	[bflag:$0x3] =	sbarrier.arrive $0xFFFF;
	s2 =	simm.s32 @!p0 $0x1C04  }
0x265: {  	[timem:s3], [sflag:s2] =	dma.local @!p0 [hbm:s0], s1  }
0x266: {  	s0 =	simm.s32 @!p0 $0x4  }
0x267: {  	_ =	swait.ge @!p0 [sflag:s0], s1  }
0x268: {  	s1 =	ssub.s32 @!p0 $0x0, s1;
	[sflag:s0] =	ssyncset.done @!p0 $0x0  }
0x269: {  	[sflag:s0] =	ssyncadd.s32 @!p0 s1  }
0x26a: {  	[bflag:$0x3] =	sbarrier.arrive $0xFFFF  }
0x26b: {  	_ =	shalt  }

</sc_bundles>
